<compile_context>
chip_gen: v7x
topology: tpu7x:2x2x1
jax: 0.10.2.dev20260603
libtpu: 0.0.44.dev20260713+nightly
codegen_flags: <defaults>
</compile_context>

<pallas_src>
import functools

import jax
import jax.numpy as jnp
from jax import lax
from jax.experimental import pallas as pl
from jax.experimental.pallas import tpu as pltpu
from jax.experimental.pallas import tpu_sc as plsc

N = 16 * 512 * 512
NC, NS, L = 2, 16, 16
NW = NC * NS
PER_W = N // NW
CR = 16
CH = CR * 512
NCH = PER_W // CH
B = 512
LO, HI = -7.0, 9.0
SCALE = B / (HI - LO)
NQ = 4

_mesh = plsc.VectorSubcoreMesh(core_axis_name="c", subcore_axis_name="s")


@functools.partial(
    pl.kernel,
    out_type=jax.ShapeDtypeStruct((NW, NQ * B), jnp.float32),
    mesh=_mesh,
    scratch_types=[
        pltpu.VMEM((CR, 512), jnp.float32),
        pltpu.VMEM((CR, 512), jnp.int32),
        pltpu.VMEM((CR, 512), jnp.float32),
        pltpu.VMEM((CR, 512), jnp.int32),
        pltpu.VMEM((NQ * B * L,), jnp.float32),
        pltpu.VMEM((NQ * B,), jnp.float32),
        pltpu.SemaphoreType.DMA,
        pltpu.SemaphoreType.DMA,
        pltpu.SemaphoreType.DMA,
        pltpu.SemaphoreType.DMA,
    ],
    compiler_params=pltpu.CompilerParams(needs_layout_passes=False),
)
def _hist_kernel(preds_hbm, labels_hbm, out_hbm,
                 pb0, lb0, pb1, lb1, hist, hsum, sp0, sl0, sp1, sl1):
    wid = lax.axis_index("s") * NC + lax.axis_index("c")
    img = wid >> 1
    row0 = (wid & 1) * 256
    lane = lax.iota(jnp.int32, L)
    zeros16 = jnp.zeros((L,), jnp.float32)
    ones16 = jnp.ones((L,), jnp.float32)

    @plsc.parallel_loop(0, NQ * B, step=1, unroll=8)
    def _zero(i):
        hist[pl.ds(i * L, L)] = zeros16

    def issue(pb, lb, sp, sl, c):
        r = row0 + c * CR
        pltpu.async_copy(preds_hbm.at[img, pl.ds(r, CR)], pb, sp)
        pltpu.async_copy(labels_hbm.at[img, pl.ds(r, CR)], lb, sl)

    def wait(pb, lb, sp, sl):
        pltpu.make_async_copy(preds_hbm.at[img, pl.ds(row0, CR)], pb, sp).wait()
        pltpu.make_async_copy(labels_hbm.at[img, pl.ds(row0, CR)], lb, sl).wait()

    def do_chunk(pb, lb):
        @plsc.parallel_loop(0, CH // L, step=1, unroll=8)
        def _inner(i):
            r = i >> 5
            col = (i & 31) * L
            p = pb[r, pl.ds(col, L)]
            lab = lb[r, pl.ds(col, L)]
            py = plsc.bitcast(
                plsc.bitcast(p, jnp.int32) ^ (lab << 31), jnp.float32)
            e = 1.0 + py
            f = jnp.where(e > 0.0, e + 1.0, jnp.exp(e))
            t = py * (-SCALE) + ((HI - 1.0) * SCALE)
            t = jnp.minimum(jnp.maximum(t, 0.0), B - 1.0)
            b = t.astype(jnp.int32)
            gc = ((lab * B + b) * L) + lane
            plsc.addupdate_scatter(hist, (gc,), ones16)
            plsc.addupdate_scatter(hist, (gc + 2 * B * L,), f)

    issue(pb0, lb0, sp0, sl0, 0)

    def pair_body(t, _):
        issue(pb1, lb1, sp1, sl1, 2 * t + 1)
        wait(pb0, lb0, sp0, sl0)
        do_chunk(pb0, lb0)
        issue(pb0, lb0, sp0, sl0, jnp.minimum(2 * t + 2, NCH - 1))
        wait(pb1, lb1, sp1, sl1)
        do_chunk(pb1, lb1)
        return 0

    lax.fori_loop(0, NCH // 2, pair_body, 0)
    wait(pb0, lb0, sp0, sl0)

    last_lane = lane == (L - 1)

    @plsc.parallel_loop(0, NQ * B, step=1, unroll=8)
    def _red(g):
        c = plsc.cumsum(hist[pl.ds(g * L, L)])
        plsc.store_scatter(hsum, (jnp.full((L,), 0, jnp.int32) + g,), c,
                           mask=last_lane)
    pltpu.sync_copy(hsum, out_hbm.at[wid])


def _excl_cumsum_lanes(x):
    inc = x
    k = 1
    while k < B:
        shifted = jnp.concatenate(
            [jnp.zeros((1, k), x.dtype), inc[:, : B - k]], axis=1)
        inc = inc + shifted
        k *= 2
    return inc - x


def _finish_body(x_ref, o_ref):
    h = jnp.sum(x_ref[...], axis=0)
    n0 = h[0:1, :]
    n1 = h[1:2, :]
    s0 = h[2:3, :]
    s1 = h[3:4, :]
    c0 = _excl_cumsum_lanes(n0)
    c1 = _excl_cumsum_lanes(n1)
    g = jnp.sum(n1)
    d1 = jnp.maximum(g + c0 + 0.5 * n0, 0.25)
    term1 = s1 / d1
    mid0 = c0 + 0.5 * (n0 + 1.0)
    d0 = jnp.maximum((g + mid0 - 1.0) * (g + mid0), 0.25)
    term0 = s0 * (g - c1 - 0.5 * n1) / d0
    o_ref[...] = jnp.sum(term1 + term0, axis=(0, 1), keepdims=True)


_finish = pl.pallas_call(
    _finish_body,
    out_shape=jax.ShapeDtypeStruct((1, 1), jnp.float32),
)


def kernel(preds, labels):
    part = _hist_kernel(preds, labels.astype(jnp.int32))
    return _finish(part.reshape(NW, NQ, B))[0, 0]

# --- scband reference (transcript-rebuilt; emitter-appended) ---
"""Pipeline reference for scband-lovasz-loss-52123723104772 (READ-ONLY COPY).

The authoritative reference and input builder live on the scoring server;
editing this copy changes nothing except your own understanding.
"""

import jax, jax.numpy as jnp
import numpy as np


def lovasz_grad(gt_sorted):
    # gt_sorted: int array of 0/1, length p
    gts = gt_sorted.sum()
    intersection = gts - jnp.cumsum(gt_sorted.astype(jnp.float32), axis=0)
    union = gts + jnp.cumsum((1 - gt_sorted).astype(jnp.float32), axis=0)
    jaccard = 1.0 - intersection / union
    # jaccard[1:] = jaccard[1:] - jaccard[:-1]
    jaccard = jnp.concatenate([jaccard[:1], jaccard[1:] - jaccard[:-1]], axis=0)
    return jaccard


def setup_inputs(seed: int = 0) -> dict:
    key = jax.random.key(seed)
    k1, k2 = jax.random.split(key)
    preds = jax.random.normal(k1, (16, 512, 512), dtype=jnp.float32)
    labels = jax.random.randint(k2, (16, 512, 512), 0, 2, dtype=jnp.int64 if jax.config.jax_enable_x64 else jnp.int32).astype(jnp.int32)
    return {"preds": preds, "labels": labels}


def reference(preds, labels):
    preds = preds.reshape(-1)
    labels = labels.reshape(-1)
    # hinge errors
    signs = 2 * labels - 1
    errors = 1.0 - preds * signs.astype(preds.dtype)
    # sort descending (gather by perm; perm treated as data, matching torch perm.data)
    perm = jnp.argsort(-errors)
    errors_sorted = errors[perm]
    gt_sorted = labels[perm]
    grad = lovasz_grad(gt_sorted)
    loss = jnp.dot(jax.nn.elu(errors_sorted) + 1.0, grad)
    return loss

if __name__ == "__main__":
    import jax
    _d = setup_inputs()
    print(jax.jit(kernel)(*tuple(_d.values())))

</pallas_src>

<mosaic_0001>
#map = affine_map<(d0, d1) -> (0, 0, 0)>
#map1 = affine_map<(d0, d1) -> (0, 0)>
module attributes {stable_mosaic.version = 14 : i64} {
  func.func @_hist_kernel(%arg0: i32, %arg1: i32, %arg2: memref<16x512x512xf32, #tpu.memory_space<hbm>>, %arg3: memref<16x512x512xi32, #tpu.memory_space<hbm>>, %arg4: memref<32x2048xf32, #tpu.memory_space<hbm>>, %arg5: memref<16x512xf32, #tpu.memory_space<vmem>>, %arg6: memref<16x512xi32, #tpu.memory_space<vmem>>, %arg7: memref<16x512xf32, #tpu.memory_space<vmem>>, %arg8: memref<16x512xi32, #tpu.memory_space<vmem>>, %arg9: memref<32768xf32, #tpu.memory_space<vmem>>, %arg10: memref<2048xf32, #tpu.memory_space<vmem>>, %arg11: memref<!tpu.dma_semaphore, #tpu.memory_space<semaphore_mem>>, %arg12: memref<!tpu.dma_semaphore, #tpu.memory_space<semaphore_mem>>, %arg13: memref<!tpu.dma_semaphore, #tpu.memory_space<semaphore_mem>>, %arg14: memref<!tpu.dma_semaphore, #tpu.memory_space<semaphore_mem>>) attributes {dimension_semantics = [#tpu.dimension_semantics<core_parallel>, #tpu.dimension_semantics<subcore_parallel>], iteration_bounds = array<i64: 2, 16>, scalar_prefetch = 0 : i64, scratch_operands = 10 : i64, tpu.core_type = #tpu.core_type<sc_vector_subcore>, window_params = [{transform_indices = #map}, {transform_indices = #map}, {transform_indices = #map1}]} {
    %mul3A = arith.constant 2 : i32
    %mul3A_0 = arith.muli %arg1, %mul3A : i32
    %add3A = arith.addi %mul3A_0, %arg0 : i32
    %shift_right_arithmetic3A = arith.constant 1 : i32
    %shift_right_arithmetic3A_1 = arith.shrsi %add3A, %shift_right_arithmetic3A : i32
    %and3A = arith.constant 1 : i32
    %and3A_2 = arith.andi %add3A, %and3A : i32
    %mul3A_3 = arith.constant 256 : i32
    %mul3A_4 = arith.muli %and3A_2, %mul3A_3 : i32
    %iota3A = tpu.iota {dimensions = array<i32: 0>} : vector<16xi32>
    %broadcast_in_dim3A = arith.constant 0.000000e+00 : f32
    %broadcast_in_dim3A_5 = vector.broadcast %broadcast_in_dim3A : f32 to vector<16xf32>
    %broadcast_in_dim3A_6 = arith.constant 1.000000e+00 : f32
    %broadcast_in_dim3A_7 = vector.broadcast %broadcast_in_dim3A_6 : f32 to vector<16xf32>
    %parallel_loop3A = arith.constant 0 : i32
    %parallel_loop3A_8 = arith.constant 2048 : i32
    %parallel_loop3A_9 = arith.constant 1 : i32
    scf.for %parallel_loop3A_45 = %parallel_loop3A to %parallel_loop3A_8 step %parallel_loop3A_9  : i32 {
      %parallel_loop3A_46 = arith.constant 16 : i32
      %parallel_loop3A_47 = arith.muli %parallel_loop3A_45, %parallel_loop3A_46 : i32
      %parallel_loop3A_48 = arith.index_cast %parallel_loop3A_47 : i32 to index
      %parallel_loop3A_49 = tpu.vector_load %arg9[%parallel_loop3A_48] {strides = array<i32>} : memref<32768xf32, #tpu.memory_space<vmem>>, vector<16xf32>,
      tpu.vector_store %arg9[%parallel_loop3A_48], %broadcast_in_dim3A_5 {strides = array<i32>} : memref<32768xf32, #tpu.memory_space<vmem>>, vector<16xf32>,
    } {sc.loop_unroll_factor = 8 : i64, sc.parallel_access}
    %add3A_10 = arith.constant 0 : i32
    %add3A_11 = arith.addi %mul3A_4, %add3A_10 : i32
    %dma_start3A = arith.constant 0 : i32
    %dma_start3A_12 = tpu.memref_slice %arg2[%shift_right_arithmetic3A_1, %add3A_11, %dma_start3A] : memref<16x512x512xf32, #tpu.memory_space<hbm>> -> memref<1x16x512xf32, #tpu.memory_space<hbm>>
    %dma_start3A_13 = tpu.memref_squeeze %dma_start3A_12 : memref<1x16x512xf32, #tpu.memory_space<hbm>> -> memref<16x512xf32, #tpu.memory_space<hbm>>
    %dma_start3A_14 = arith.constant 0 : i32
    %dma_start3A_15 = tpu.memref_slice %arg2[%shift_right_arithmetic3A_1, %add3A_11, %dma_start3A_14] : memref<16x512x512xf32, #tpu.memory_space<hbm>> -> memref<1x16x512xf32, #tpu.memory_space<hbm>>
    %dma_start3A_16 = tpu.memref_squeeze %dma_start3A_15 : memref<1x16x512xf32, #tpu.memory_space<hbm>> -> memref<16x512xf32, #tpu.memory_space<hbm>>
    tpu.enqueue_dma source(%dma_start3A_16 : memref<16x512xf32, #tpu.memory_space<hbm>>) target(%arg5 : memref<16x512xf32, #tpu.memory_space<vmem>>) target_semaphore(%arg11 : memref<!tpu.dma_semaphore, #tpu.memory_space<semaphore_mem>>)
    %dma_start3A_17 = arith.constant 0 : i32
    %dma_start3A_18 = tpu.memref_slice %arg3[%shift_right_arithmetic3A_1, %add3A_11, %dma_start3A_17] : memref<16x512x512xi32, #tpu.memory_space<hbm>> -> memref<1x16x512xi32, #tpu.memory_space<hbm>>
    %dma_start3A_19 = tpu.memref_squeeze %dma_start3A_18 : memref<1x16x512xi32, #tpu.memory_space<hbm>> -> memref<16x512xi32, #tpu.memory_space<hbm>>
    %dma_start3A_20 = arith.constant 0 : i32
    %dma_start3A_21 = tpu.memref_slice %arg3[%shift_right_arithmetic3A_1, %add3A_11, %dma_start3A_20] : memref<16x512x512xi32, #tpu.memory_space<hbm>> -> memref<1x16x512xi32, #tpu.memory_space<hbm>>
    %dma_start3A_22 = tpu.memref_squeeze %dma_start3A_21 : memref<1x16x512xi32, #tpu.memory_space<hbm>> -> memref<16x512xi32, #tpu.memory_space<hbm>>
    tpu.enqueue_dma source(%dma_start3A_22 : memref<16x512xi32, #tpu.memory_space<hbm>>) target(%arg6 : memref<16x512xi32, #tpu.memory_space<vmem>>) target_semaphore(%arg12 : memref<!tpu.dma_semaphore, #tpu.memory_space<semaphore_mem>>)
    %scan3A = arith.constant 0 : i32
    %scan3A_23 = arith.constant 0 : i32
    %scan3A_24 = arith.constant 8 : i32
    %scan3A_25 = arith.addi %scan3A_23, %scan3A_24 : i32
    %scan3A_26 = arith.constant 1 : i32
    %scan3A_27 = scf.for %scan3A_45 = %scan3A_23 to %scan3A_25 step %scan3A_26 iter_args(%scan3A_46 = %scan3A) -> (i32)  : i32 {
      %mul3A_47 = arith.constant 2 : i32
      %mul3A_48 = arith.muli %mul3A_47, %scan3A_45 : i32
      %add3A_49 = arith.constant 1 : i32
      %add3A_50 = arith.addi %mul3A_48, %add3A_49 : i32
      %mul3A_51 = arith.constant 16 : i32
      %mul3A_52 = arith.muli %add3A_50, %mul3A_51 : i32
      %add3A_53 = arith.addi %mul3A_4, %mul3A_52 : i32
      %dma_start3A_54 = arith.constant 0 : i32
      %dma_start3A_55 = tpu.memref_slice %arg2[%shift_right_arithmetic3A_1, %add3A_53, %dma_start3A_54] : memref<16x512x512xf32, #tpu.memory_space<hbm>> -> memref<1x16x512xf32, #tpu.memory_space<hbm>>
      %dma_start3A_56 = tpu.memref_squeeze %dma_start3A_55 : memref<1x16x512xf32, #tpu.memory_space<hbm>> -> memref<16x512xf32, #tpu.memory_space<hbm>>
      %dma_start3A_57 = arith.constant 0 : i32
      %dma_start3A_58 = tpu.memref_slice %arg2[%shift_right_arithmetic3A_1, %add3A_53, %dma_start3A_57] : memref<16x512x512xf32, #tpu.memory_space<hbm>> -> memref<1x16x512xf32, #tpu.memory_space<hbm>>
      %dma_start3A_59 = tpu.memref_squeeze %dma_start3A_58 : memref<1x16x512xf32, #tpu.memory_space<hbm>> -> memref<16x512xf32, #tpu.memory_space<hbm>>
      tpu.enqueue_dma source(%dma_start3A_59 : memref<16x512xf32, #tpu.memory_space<hbm>>) target(%arg7 : memref<16x512xf32, #tpu.memory_space<vmem>>) target_semaphore(%arg13 : memref<!tpu.dma_semaphore, #tpu.memory_space<semaphore_mem>>)
      %dma_start3A_60 = arith.constant 0 : i32
      %dma_start3A_61 = tpu.memref_slice %arg3[%shift_right_arithmetic3A_1, %add3A_53, %dma_start3A_60] : memref<16x512x512xi32, #tpu.memory_space<hbm>> -> memref<1x16x512xi32, #tpu.memory_space<hbm>>
      %dma_start3A_62 = tpu.memref_squeeze %dma_start3A_61 : memref<1x16x512xi32, #tpu.memory_space<hbm>> -> memref<16x512xi32, #tpu.memory_space<hbm>>
      %dma_start3A_63 = arith.constant 0 : i32
      %dma_start3A_64 = tpu.memref_slice %arg3[%shift_right_arithmetic3A_1, %add3A_53, %dma_start3A_63] : memref<16x512x512xi32, #tpu.memory_space<hbm>> -> memref<1x16x512xi32, #tpu.memory_space<hbm>>
      %dma_start3A_65 = tpu.memref_squeeze %dma_start3A_64 : memref<1x16x512xi32, #tpu.memory_space<hbm>> -> memref<16x512xi32, #tpu.memory_space<hbm>>
      tpu.enqueue_dma source(%dma_start3A_65 : memref<16x512xi32, #tpu.memory_space<hbm>>) target(%arg8 : memref<16x512xi32, #tpu.memory_space<vmem>>) target_semaphore(%arg14 : memref<!tpu.dma_semaphore, #tpu.memory_space<semaphore_mem>>)
      %dma_wait3A_66 = arith.constant 0 : i32
      %dma_wait3A_67 = tpu.memref_slice %arg2[%shift_right_arithmetic3A_1, %mul3A_4, %dma_wait3A_66] : memref<16x512x512xf32, #tpu.memory_space<hbm>> -> memref<1x16x512xf32, #tpu.memory_space<hbm>>
      %dma_wait3A_68 = tpu.memref_squeeze %dma_wait3A_67 : memref<1x16x512xf32, #tpu.memory_space<hbm>> -> memref<16x512xf32, #tpu.memory_space<hbm>>
      %dma_wait3A_69 = arith.constant 0 : i32
      %dma_wait3A_70 = tpu.memref_slice %arg2[%shift_right_arithmetic3A_1, %mul3A_4, %dma_wait3A_69] : memref<16x512x512xf32, #tpu.memory_space<hbm>> -> memref<1x16x512xf32, #tpu.memory_space<hbm>>
      %dma_wait3A_71 = tpu.memref_squeeze %dma_wait3A_70 : memref<1x16x512xf32, #tpu.memory_space<hbm>> -> memref<16x512xf32, #tpu.memory_space<hbm>>
      tpu.wait_dma2 semaphore(%arg11 : memref<!tpu.dma_semaphore, #tpu.memory_space<semaphore_mem>>) src(%dma_wait3A_71 : memref<16x512xf32, #tpu.memory_space<hbm>>) dst(%arg5 : memref<16x512xf32, #tpu.memory_space<vmem>>)
      %dma_wait3A_72 = arith.constant 0 : i32
      %dma_wait3A_73 = tpu.memref_slice %arg3[%shift_right_arithmetic3A_1, %mul3A_4, %dma_wait3A_72] : memref<16x512x512xi32, #tpu.memory_space<hbm>> -> memref<1x16x512xi32, #tpu.memory_space<hbm>>
      %dma_wait3A_74 = tpu.memref_squeeze %dma_wait3A_73 : memref<1x16x512xi32, #tpu.memory_space<hbm>> -> memref<16x512xi32, #tpu.memory_space<hbm>>
      %dma_wait3A_75 = arith.constant 0 : i32
      %dma_wait3A_76 = tpu.memref_slice %arg3[%shift_right_arithmetic3A_1, %mul3A_4, %dma_wait3A_75] : memref<16x512x512xi32, #tpu.memory_space<hbm>> -> memref<1x16x512xi32, #tpu.memory_space<hbm>>
      %dma_wait3A_77 = tpu.memref_squeeze %dma_wait3A_76 : memref<1x16x512xi32, #tpu.memory_space<hbm>> -> memref<16x512xi32, #tpu.memory_space<hbm>>
      tpu.wait_dma2 semaphore(%arg12 : memref<!tpu.dma_semaphore, #tpu.memory_space<semaphore_mem>>) src(%dma_wait3A_77 : memref<16x512xi32, #tpu.memory_space<hbm>>) dst(%arg6 : memref<16x512xi32, #tpu.memory_space<vmem>>)
      %parallel_loop3A_78 = arith.constant 0 : i32
      %parallel_loop3A_79 = arith.constant 512 : i32
      %parallel_loop3A_80 = arith.constant 1 : i32
      scf.for %parallel_loop3A_117 = %parallel_loop3A_78 to %parallel_loop3A_79 step %parallel_loop3A_80  : i32 {
        %parallel_loop3A_118 = arith.constant 5 : i32
        %parallel_loop3A_119 = arith.shrsi %parallel_loop3A_117, %parallel_loop3A_118 : i32
        %parallel_loop3A_120 = arith.constant 31 : i32
        %parallel_loop3A_121 = arith.andi %parallel_loop3A_117, %parallel_loop3A_120 : i32
        %parallel_loop3A_122 = arith.constant 16 : i32
        %parallel_loop3A_123 = arith.muli %parallel_loop3A_121, %parallel_loop3A_122 : i32
        %parallel_loop3A_124 = arith.index_cast %parallel_loop3A_119 : i32 to index
        %parallel_loop3A_125 = arith.index_cast %parallel_loop3A_123 : i32 to index
        %parallel_loop3A_126 = tpu.vector_load %arg5[%parallel_loop3A_124, %parallel_loop3A_125] {strides = array<i32>} : memref<16x512xf32, #tpu.memory_space<vmem>>, vector<16xf32>,
        %parallel_loop3A_127 = arith.index_cast %parallel_loop3A_119 : i32 to index
        %parallel_loop3A_128 = arith.index_cast %parallel_loop3A_123 : i32 to index
        %parallel_loop3A_129 = tpu.vector_load %arg6[%parallel_loop3A_127, %parallel_loop3A_128] {strides = array<i32>} : memref<16x512xi32, #tpu.memory_space<vmem>>, vector<16xi32>,
        %parallel_loop3A_130 = vector.bitcast %parallel_loop3A_126 : vector<16xf32> to vector<16xi32>
        %parallel_loop3A_131 = arith.constant 31 : i32
        %parallel_loop3A_132 = vector.broadcast %parallel_loop3A_131 : i32 to vector<16xi32>
        %parallel_loop3A_133 = arith.shli %parallel_loop3A_129, %parallel_loop3A_132 : vector<16xi32>
        %parallel_loop3A_134 = arith.xori %parallel_loop3A_130, %parallel_loop3A_133 : vector<16xi32>
        %parallel_loop3A_135 = vector.bitcast %parallel_loop3A_134 : vector<16xi32> to vector<16xf32>
        %parallel_loop3A_136 = arith.constant 1.000000e+00 : f32
        %parallel_loop3A_137 = vector.broadcast %parallel_loop3A_136 : f32 to vector<16xf32>
        %parallel_loop3A_138 = arith.addf %parallel_loop3A_137, %parallel_loop3A_135 : vector<16xf32>
        %parallel_loop3A_139 = arith.constant 0.000000e+00 : f32
        %parallel_loop3A_140 = vector.broadcast %parallel_loop3A_139 : f32 to vector<16xf32>
        %parallel_loop3A_141 = arith.cmpf ogt, %parallel_loop3A_138, %parallel_loop3A_140 : vector<16xf32>
        %parallel_loop3A_142 = arith.constant 1.000000e+00 : f32
        %parallel_loop3A_143 = vector.broadcast %parallel_loop3A_142 : f32 to vector<16xf32>
        %parallel_loop3A_144 = arith.addf %parallel_loop3A_138, %parallel_loop3A_143 : vector<16xf32>
        %parallel_loop3A_145 = math.exp %parallel_loop3A_138 : vector<16xf32>
        %parallel_loop3A_146 = arith.select %parallel_loop3A_141, %parallel_loop3A_144, %parallel_loop3A_145 : vector<16xi1>, vector<16xf32>
        %parallel_loop3A_147 = arith.constant -3.200000e+01 : f32
        %parallel_loop3A_148 = vector.broadcast %parallel_loop3A_147 : f32 to vector<16xf32>
        %parallel_loop3A_149 = arith.mulf %parallel_loop3A_135, %parallel_loop3A_148 : vector<16xf32>
        %parallel_loop3A_150 = arith.constant 2.560000e+02 : f32
        %parallel_loop3A_151 = vector.broadcast %parallel_loop3A_150 : f32 to vector<16xf32>
        %parallel_loop3A_152 = arith.addf %parallel_loop3A_149, %parallel_loop3A_151 : vector<16xf32>
        %parallel_loop3A_153 = arith.constant 0.000000e+00 : f32
        %parallel_loop3A_154 = vector.broadcast %parallel_loop3A_153 : f32 to vector<16xf32>
        %parallel_loop3A_155 = arith.maximumf %parallel_loop3A_152, %parallel_loop3A_154 : vector<16xf32>
        %parallel_loop3A_156 = arith.constant 5.110000e+02 : f32
        %parallel_loop3A_157 = vector.broadcast %parallel_loop3A_156 : f32 to vector<16xf32>
        %parallel_loop3A_158 = arith.minimumf %parallel_loop3A_155, %parallel_loop3A_157 : vector<16xf32>
        %parallel_loop3A_159 = arith.fptosi %parallel_loop3A_158 : vector<16xf32> to vector<16xi32>
        %parallel_loop3A_160 = arith.constant 512 : i32
        %parallel_loop3A_161 = vector.broadcast %parallel_loop3A_160 : i32 to vector<16xi32>
        %parallel_loop3A_162 = arith.muli %parallel_loop3A_129, %parallel_loop3A_161 : vector<16xi32>
        %parallel_loop3A_163 = arith.addi %parallel_loop3A_162, %parallel_loop3A_159 : vector<16xi32>
        %parallel_loop3A_164 = arith.constant 16 : i32
        %parallel_loop3A_165 = vector.broadcast %parallel_loop3A_164 : i32 to vector<16xi32>
        %parallel_loop3A_166 = arith.muli %parallel_loop3A_163, %parallel_loop3A_165 : vector<16xi32>
        %parallel_loop3A_167 = arith.addi %parallel_loop3A_166, %iota3A : vector<16xi32>
        tpu.vector_store_idx %arg9[%parallel_loop3A_167], %broadcast_in_dim3A_7 {add = true} : memref<32768xf32, #tpu.memory_space<vmem>>[vector<16xi32>], vector<16xf32>,
        %parallel_loop3A_168 = arith.constant 16384 : i32
        %parallel_loop3A_169 = vector.broadcast %parallel_loop3A_168 : i32 to vector<16xi32>
        %parallel_loop3A_170 = arith.addi %parallel_loop3A_167, %parallel_loop3A_169 : vector<16xi32>
        tpu.vector_store_idx %arg9[%parallel_loop3A_170], %parallel_loop3A_146 {add = true} : memref<32768xf32, #tpu.memory_space<vmem>>[vector<16xi32>], vector<16xf32>,
      } {sc.loop_unroll_factor = 8 : i64, sc.parallel_access}
      %mul3A_81 = arith.constant 2 : i32
      %mul3A_82 = arith.muli %mul3A_81, %scan3A_45 : i32
      %add3A_83 = arith.constant 2 : i32
      %add3A_84 = arith.addi %mul3A_82, %add3A_83 : i32
      %min3A = arith.constant 15 : i32
      %min3A_85 = arith.minsi %add3A_84, %min3A : i32
      %mul3A_86 = arith.constant 16 : i32
      %mul3A_87 = arith.muli %min3A_85, %mul3A_86 : i32
      %add3A_88 = arith.addi %mul3A_4, %mul3A_87 : i32
      %dma_start3A_89 = arith.constant 0 : i32
      %dma_start3A_90 = tpu.memref_slice %arg2[%shift_right_arithmetic3A_1, %add3A_88, %dma_start3A_89] : memref<16x512x512xf32, #tpu.memory_space<hbm>> -> memref<1x16x512xf32, #tpu.memory_space<hbm>>
      %dma_start3A_91 = tpu.memref_squeeze %dma_start3A_90 : memref<1x16x512xf32, #tpu.memory_space<hbm>> -> memref<16x512xf32, #tpu.memory_space<hbm>>
      %dma_start3A_92 = arith.constant 0 : i32
      %dma_start3A_93 = tpu.memref_slice %arg2[%shift_right_arithmetic3A_1, %add3A_88, %dma_start3A_92] : memref<16x512x512xf32, #tpu.memory_space<hbm>> -> memref<1x16x512xf32, #tpu.memory_space<hbm>>
      %dma_start3A_94 = tpu.memref_squeeze %dma_start3A_93 : memref<1x16x512xf32, #tpu.memory_space<hbm>> -> memref<16x512xf32, #tpu.memory_space<hbm>>
      tpu.enqueue_dma source(%dma_start3A_94 : memref<16x512xf32, #tpu.memory_space<hbm>>) target(%arg5 : memref<16x512xf32, #tpu.memory_space<vmem>>) target_semaphore(%arg11 : memref<!tpu.dma_semaphore, #tpu.memory_space<semaphore_mem>>)
      %dma_start3A_95 = arith.constant 0 : i32
      %dma_start3A_96 = tpu.memref_slice %arg3[%shift_right_arithmetic3A_1, %add3A_88, %dma_start3A_95] : memref<16x512x512xi32, #tpu.memory_space<hbm>> -> memref<1x16x512xi32, #tpu.memory_space<hbm>>
      %dma_start3A_97 = tpu.memref_squeeze %dma_start3A_96 : memref<1x16x512xi32, #tpu.memory_space<hbm>> -> memref<16x512xi32, #tpu.memory_space<hbm>>
      %dma_start3A_98 = arith.constant 0 : i32
      %dma_start3A_99 = tpu.memref_slice %arg3[%shift_right_arithmetic3A_1, %add3A_88, %dma_start3A_98] : memref<16x512x512xi32, #tpu.memory_space<hbm>> -> memref<1x16x512xi32, #tpu.memory_space<hbm>>
      %dma_start3A_100 = tpu.memref_squeeze %dma_start3A_99 : memref<1x16x512xi32, #tpu.memory_space<hbm>> -> memref<16x512xi32, #tpu.memory_space<hbm>>
      tpu.enqueue_dma source(%dma_start3A_100 : memref<16x512xi32, #tpu.memory_space<hbm>>) target(%arg6 : memref<16x512xi32, #tpu.memory_space<vmem>>) target_semaphore(%arg12 : memref<!tpu.dma_semaphore, #tpu.memory_space<semaphore_mem>>)
      %dma_wait3A_101 = arith.constant 0 : i32
      %dma_wait3A_102 = tpu.memref_slice %arg2[%shift_right_arithmetic3A_1, %mul3A_4, %dma_wait3A_101] : memref<16x512x512xf32, #tpu.memory_space<hbm>> -> memref<1x16x512xf32, #tpu.memory_space<hbm>>
      %dma_wait3A_103 = tpu.memref_squeeze %dma_wait3A_102 : memref<1x16x512xf32, #tpu.memory_space<hbm>> -> memref<16x512xf32, #tpu.memory_space<hbm>>
      %dma_wait3A_104 = arith.constant 0 : i32
      %dma_wait3A_105 = tpu.memref_slice %arg2[%shift_right_arithmetic3A_1, %mul3A_4, %dma_wait3A_104] : memref<16x512x512xf32, #tpu.memory_space<hbm>> -> memref<1x16x512xf32, #tpu.memory_space<hbm>>
      %dma_wait3A_106 = tpu.memref_squeeze %dma_wait3A_105 : memref<1x16x512xf32, #tpu.memory_space<hbm>> -> memref<16x512xf32, #tpu.memory_space<hbm>>
      tpu.wait_dma2 semaphore(%arg13 : memref<!tpu.dma_semaphore, #tpu.memory_space<semaphore_mem>>) src(%dma_wait3A_106 : memref<16x512xf32, #tpu.memory_space<hbm>>) dst(%arg7 : memref<16x512xf32, #tpu.memory_space<vmem>>)
      %dma_wait3A_107 = arith.constant 0 : i32
      %dma_wait3A_108 = tpu.memref_slice %arg3[%shift_right_arithmetic3A_1, %mul3A_4, %dma_wait3A_107] : memref<16x512x512xi32, #tpu.memory_space<hbm>> -> memref<1x16x512xi32, #tpu.memory_space<hbm>>
      %dma_wait3A_109 = tpu.memref_squeeze %dma_wait3A_108 : memref<1x16x512xi32, #tpu.memory_space<hbm>> -> memref<16x512xi32, #tpu.memory_space<hbm>>
      %dma_wait3A_110 = arith.constant 0 : i32
      %dma_wait3A_111 = tpu.memref_slice %arg3[%shift_right_arithmetic3A_1, %mul3A_4, %dma_wait3A_110] : memref<16x512x512xi32, #tpu.memory_space<hbm>> -> memref<1x16x512xi32, #tpu.memory_space<hbm>>
      %dma_wait3A_112 = tpu.memref_squeeze %dma_wait3A_111 : memref<1x16x512xi32, #tpu.memory_space<hbm>> -> memref<16x512xi32, #tpu.memory_space<hbm>>
      tpu.wait_dma2 semaphore(%arg14 : memref<!tpu.dma_semaphore, #tpu.memory_space<semaphore_mem>>) src(%dma_wait3A_112 : memref<16x512xi32, #tpu.memory_space<hbm>>) dst(%arg8 : memref<16x512xi32, #tpu.memory_space<vmem>>)
      %parallel_loop3A_113 = arith.constant 0 : i32
      %parallel_loop3A_114 = arith.constant 512 : i32
      %parallel_loop3A_115 = arith.constant 1 : i32
      scf.for %parallel_loop3A_117 = %parallel_loop3A_113 to %parallel_loop3A_114 step %parallel_loop3A_115  : i32 {
        %parallel_loop3A_118 = arith.constant 5 : i32
        %parallel_loop3A_119 = arith.shrsi %parallel_loop3A_117, %parallel_loop3A_118 : i32
        %parallel_loop3A_120 = arith.constant 31 : i32
        %parallel_loop3A_121 = arith.andi %parallel_loop3A_117, %parallel_loop3A_120 : i32
        %parallel_loop3A_122 = arith.constant 16 : i32
        %parallel_loop3A_123 = arith.muli %parallel_loop3A_121, %parallel_loop3A_122 : i32
        %parallel_loop3A_124 = arith.index_cast %parallel_loop3A_119 : i32 to index
        %parallel_loop3A_125 = arith.index_cast %parallel_loop3A_123 : i32 to index
        %parallel_loop3A_126 = tpu.vector_load %arg7[%parallel_loop3A_124, %parallel_loop3A_125] {strides = array<i32>} : memref<16x512xf32, #tpu.memory_space<vmem>>, vector<16xf32>,
        %parallel_loop3A_127 = arith.index_cast %parallel_loop3A_119 : i32 to index
        %parallel_loop3A_128 = arith.index_cast %parallel_loop3A_123 : i32 to index
        %parallel_loop3A_129 = tpu.vector_load %arg8[%parallel_loop3A_127, %parallel_loop3A_128] {strides = array<i32>} : memref<16x512xi32, #tpu.memory_space<vmem>>, vector<16xi32>,
        %parallel_loop3A_130 = vector.bitcast %parallel_loop3A_126 : vector<16xf32> to vector<16xi32>
        %parallel_loop3A_131 = arith.constant 31 : i32
        %parallel_loop3A_132 = vector.broadcast %parallel_loop3A_131 : i32 to vector<16xi32>
        %parallel_loop3A_133 = arith.shli %parallel_loop3A_129, %parallel_loop3A_132 : vector<16xi32>
        %parallel_loop3A_134 = arith.xori %parallel_loop3A_130, %parallel_loop3A_133 : vector<16xi32>
        %parallel_loop3A_135 = vector.bitcast %parallel_loop3A_134 : vector<16xi32> to vector<16xf32>
        %parallel_loop3A_136 = arith.constant 1.000000e+00 : f32
        %parallel_loop3A_137 = vector.broadcast %parallel_loop3A_136 : f32 to vector<16xf32>
        %parallel_loop3A_138 = arith.addf %parallel_loop3A_137, %parallel_loop3A_135 : vector<16xf32>
        %parallel_loop3A_139 = arith.constant 0.000000e+00 : f32
        %parallel_loop3A_140 = vector.broadcast %parallel_loop3A_139 : f32 to vector<16xf32>
        %parallel_loop3A_141 = arith.cmpf ogt, %parallel_loop3A_138, %parallel_loop3A_140 : vector<16xf32>
        %parallel_loop3A_142 = arith.constant 1.000000e+00 : f32
        %parallel_loop3A_143 = vector.broadcast %parallel_loop3A_142 : f32 to vector<16xf32>
        %parallel_loop3A_144 = arith.addf %parallel_loop3A_138, %parallel_loop3A_143 : vector<16xf32>
        %parallel_loop3A_145 = math.exp %parallel_loop3A_138 : vector<16xf32>
        %parallel_loop3A_146 = arith.select %parallel_loop3A_141, %parallel_loop3A_144, %parallel_loop3A_145 : vector<16xi1>, vector<16xf32>
        %parallel_loop3A_147 = arith.constant -3.200000e+01 : f32
        %parallel_loop3A_148 = vector.broadcast %parallel_loop3A_147 : f32 to vector<16xf32>
        %parallel_loop3A_149 = arith.mulf %parallel_loop3A_135, %parallel_loop3A_148 : vector<16xf32>
        %parallel_loop3A_150 = arith.constant 2.560000e+02 : f32
        %parallel_loop3A_151 = vector.broadcast %parallel_loop3A_150 : f32 to vector<16xf32>
        %parallel_loop3A_152 = arith.addf %parallel_loop3A_149, %parallel_loop3A_151 : vector<16xf32>
        %parallel_loop3A_153 = arith.constant 0.000000e+00 : f32
        %parallel_loop3A_154 = vector.broadcast %parallel_loop3A_153 : f32 to vector<16xf32>
        %parallel_loop3A_155 = arith.maximumf %parallel_loop3A_152, %parallel_loop3A_154 : vector<16xf32>
        %parallel_loop3A_156 = arith.constant 5.110000e+02 : f32
        %parallel_loop3A_157 = vector.broadcast %parallel_loop3A_156 : f32 to vector<16xf32>
        %parallel_loop3A_158 = arith.minimumf %parallel_loop3A_155, %parallel_loop3A_157 : vector<16xf32>
        %parallel_loop3A_159 = arith.fptosi %parallel_loop3A_158 : vector<16xf32> to vector<16xi32>
        %parallel_loop3A_160 = arith.constant 512 : i32
        %parallel_loop3A_161 = vector.broadcast %parallel_loop3A_160 : i32 to vector<16xi32>
        %parallel_loop3A_162 = arith.muli %parallel_loop3A_129, %parallel_loop3A_161 : vector<16xi32>
        %parallel_loop3A_163 = arith.addi %parallel_loop3A_162, %parallel_loop3A_159 : vector<16xi32>
        %parallel_loop3A_164 = arith.constant 16 : i32
        %parallel_loop3A_165 = vector.broadcast %parallel_loop3A_164 : i32 to vector<16xi32>
        %parallel_loop3A_166 = arith.muli %parallel_loop3A_163, %parallel_loop3A_165 : vector<16xi32>
        %parallel_loop3A_167 = arith.addi %parallel_loop3A_166, %iota3A : vector<16xi32>
        tpu.vector_store_idx %arg9[%parallel_loop3A_167], %broadcast_in_dim3A_7 {add = true} : memref<32768xf32, #tpu.memory_space<vmem>>[vector<16xi32>], vector<16xf32>,
        %parallel_loop3A_168 = arith.constant 16384 : i32
        %parallel_loop3A_169 = vector.broadcast %parallel_loop3A_168 : i32 to vector<16xi32>
        %parallel_loop3A_170 = arith.addi %parallel_loop3A_167, %parallel_loop3A_169 : vector<16xi32>
        tpu.vector_store_idx %arg9[%parallel_loop3A_170], %parallel_loop3A_146 {add = true} : memref<32768xf32, #tpu.memory_space<vmem>>[vector<16xi32>], vector<16xf32>,
      } {sc.loop_unroll_factor = 8 : i64, sc.parallel_access}
      %scan3A_116 = arith.constant 0 : i32
      scf.yield %scan3A_116 : i32
    }
    %scan3A_28 = arith.constant 8 : i32
    %dma_wait3A = arith.constant 0 : i32
    %dma_wait3A_29 = tpu.memref_slice %arg2[%shift_right_arithmetic3A_1, %mul3A_4, %dma_wait3A] : memref<16x512x512xf32, #tpu.memory_space<hbm>> -> memref<1x16x512xf32, #tpu.memory_space<hbm>>
    %dma_wait3A_30 = tpu.memref_squeeze %dma_wait3A_29 : memref<1x16x512xf32, #tpu.memory_space<hbm>> -> memref<16x512xf32, #tpu.memory_space<hbm>>
    %dma_wait3A_31 = arith.constant 0 : i32
    %dma_wait3A_32 = tpu.memref_slice %arg2[%shift_right_arithmetic3A_1, %mul3A_4, %dma_wait3A_31] : memref<16x512x512xf32, #tpu.memory_space<hbm>> -> memref<1x16x512xf32, #tpu.memory_space<hbm>>
    %dma_wait3A_33 = tpu.memref_squeeze %dma_wait3A_32 : memref<1x16x512xf32, #tpu.memory_space<hbm>> -> memref<16x512xf32, #tpu.memory_space<hbm>>
    tpu.wait_dma2 semaphore(%arg11 : memref<!tpu.dma_semaphore, #tpu.memory_space<semaphore_mem>>) src(%dma_wait3A_33 : memref<16x512xf32, #tpu.memory_space<hbm>>) dst(%arg5 : memref<16x512xf32, #tpu.memory_space<vmem>>)
    %dma_wait3A_34 = arith.constant 0 : i32
    %dma_wait3A_35 = tpu.memref_slice %arg3[%shift_right_arithmetic3A_1, %mul3A_4, %dma_wait3A_34] : memref<16x512x512xi32, #tpu.memory_space<hbm>> -> memref<1x16x512xi32, #tpu.memory_space<hbm>>
    %dma_wait3A_36 = tpu.memref_squeeze %dma_wait3A_35 : memref<1x16x512xi32, #tpu.memory_space<hbm>> -> memref<16x512xi32, #tpu.memory_space<hbm>>
    %dma_wait3A_37 = arith.constant 0 : i32
    %dma_wait3A_38 = tpu.memref_slice %arg3[%shift_right_arithmetic3A_1, %mul3A_4, %dma_wait3A_37] : memref<16x512x512xi32, #tpu.memory_space<hbm>> -> memref<1x16x512xi32, #tpu.memory_space<hbm>>
    %dma_wait3A_39 = tpu.memref_squeeze %dma_wait3A_38 : memref<1x16x512xi32, #tpu.memory_space<hbm>> -> memref<16x512xi32, #tpu.memory_space<hbm>>
    tpu.wait_dma2 semaphore(%arg12 : memref<!tpu.dma_semaphore, #tpu.memory_space<semaphore_mem>>) src(%dma_wait3A_39 : memref<16x512xi32, #tpu.memory_space<hbm>>) dst(%arg6 : memref<16x512xi32, #tpu.memory_space<vmem>>)
    %eq3A = arith.constant 15 : i32
    %eq3A_40 = vector.broadcast %eq3A : i32 to vector<16xi32>
    %eq3A_41 = arith.cmpi eq, %iota3A, %eq3A_40 : vector<16xi32>
    %parallel_loop3A_42 = arith.constant 0 : i32
    %parallel_loop3A_43 = arith.constant 2048 : i32
    %parallel_loop3A_44 = arith.constant 1 : i32
    scf.for %parallel_loop3A_45 = %parallel_loop3A_42 to %parallel_loop3A_43 step %parallel_loop3A_44  : i32 {
      %parallel_loop3A_46 = arith.constant 16 : i32
      %parallel_loop3A_47 = arith.muli %parallel_loop3A_45, %parallel_loop3A_46 : i32
      %parallel_loop3A_48 = arith.index_cast %parallel_loop3A_47 : i32 to index
      %parallel_loop3A_49 = tpu.vector_load %arg9[%parallel_loop3A_48] {strides = array<i32>} : memref<32768xf32, #tpu.memory_space<vmem>>, vector<16xf32>,
      %parallel_loop3A_50 = arith.constant true
      %parallel_loop3A_51 = vector.broadcast %parallel_loop3A_50 : i1 to vector<16xi1>
      %parallel_loop3A_52 = tpu.scan <sum>, %parallel_loop3A_49 masked %parallel_loop3A_51 : vector<16xf32>, vector<16xi1> -> vector<16xf32>
      %parallel_loop3A_53 = arith.constant 0 : i32
      %parallel_loop3A_54 = vector.broadcast %parallel_loop3A_53 : i32 to vector<16xi32>
      %parallel_loop3A_55 = vector.broadcast %parallel_loop3A_45 : i32 to vector<16xi32>
      %parallel_loop3A_56 = arith.addi %parallel_loop3A_54, %parallel_loop3A_55 : vector<16xi32>
      tpu.vector_store_idx %arg10[%parallel_loop3A_56], %parallel_loop3A_52 masked %eq3A_41 : memref<2048xf32, #tpu.memory_space<vmem>>[vector<16xi32>], vector<16xf32>, vector<16xi1>
    } {sc.loop_unroll_factor = 8 : i64, sc.parallel_access}
    "tpu.region"() ({
      %run_scoped3A = tpu.sem_alloc : memref<!tpu.dma_semaphore, #tpu.memory_space<semaphore_mem>>
      %dma_start3A_45 = arith.constant 0 : i32
      %dma_start3A_46 = tpu.memref_slice %arg4[%add3A, %dma_start3A_45] : memref<32x2048xf32, #tpu.memory_space<hbm>> -> memref<1x2048xf32, #tpu.memory_space<hbm>>
      %dma_start3A_47 = tpu.memref_squeeze %dma_start3A_46 : memref<1x2048xf32, #tpu.memory_space<hbm>> -> memref<2048xf32, #tpu.memory_space<hbm>>
      %dma_start3A_48 = arith.constant 0 : i32
      %dma_start3A_49 = tpu.memref_slice %arg4[%add3A, %dma_start3A_48] : memref<32x2048xf32, #tpu.memory_space<hbm>> -> memref<1x2048xf32, #tpu.memory_space<hbm>>
      %dma_start3A_50 = tpu.memref_squeeze %dma_start3A_49 : memref<1x2048xf32, #tpu.memory_space<hbm>> -> memref<2048xf32, #tpu.memory_space<hbm>>
      tpu.enqueue_dma source(%arg10 : memref<2048xf32, #tpu.memory_space<vmem>>) target(%dma_start3A_50 : memref<2048xf32, #tpu.memory_space<hbm>>) target_semaphore(%run_scoped3A : memref<!tpu.dma_semaphore, #tpu.memory_space<semaphore_mem>>)
      %dma_wait3A_51 = arith.constant 0 : i32
      %dma_wait3A_52 = tpu.memref_slice %arg4[%add3A, %dma_wait3A_51] : memref<32x2048xf32, #tpu.memory_space<hbm>> -> memref<1x2048xf32, #tpu.memory_space<hbm>>
      %dma_wait3A_53 = tpu.memref_squeeze %dma_wait3A_52 : memref<1x2048xf32, #tpu.memory_space<hbm>> -> memref<2048xf32, #tpu.memory_space<hbm>>
      %dma_wait3A_54 = arith.constant 0 : i32
      %dma_wait3A_55 = tpu.memref_slice %arg4[%add3A, %dma_wait3A_54] : memref<32x2048xf32, #tpu.memory_space<hbm>> -> memref<1x2048xf32, #tpu.memory_space<hbm>>
      %dma_wait3A_56 = tpu.memref_squeeze %dma_wait3A_55 : memref<1x2048xf32, #tpu.memory_space<hbm>> -> memref<2048xf32, #tpu.memory_space<hbm>>
      tpu.wait_dma2 semaphore(%run_scoped3A : memref<!tpu.dma_semaphore, #tpu.memory_space<semaphore_mem>>) src(%arg10 : memref<2048xf32, #tpu.memory_space<vmem>>) dst(%dma_wait3A_56 : memref<2048xf32, #tpu.memory_space<hbm>>)
      tpu.yield
    }) : () -> ()
    return
  }
}

module attributes {stable_mosaic.version = 14 : i64} {
  func.func @_finish_body(%arg0: memref<32x4x512xf32, #tpu.memory_space<vmem>>, %arg1: memref<1x1xf32, #tpu.memory_space<vmem>>) attributes {dimension_semantics = [], scalar_prefetch = 0 : i64, scratch_operands = 0 : i64, tpu.core_type = #tpu.core_type<tc>} {
    %get3A = arith.constant 0 : index
    %get3A_0 = arith.constant 0 : index
    %get3A_1 = arith.constant 0 : index
    %get3A_2 = vector.load %arg0[%get3A, %get3A_0, %get3A_1] : memref<32x4x512xf32, #tpu.memory_space<vmem>>, vector<32x4x512xf32>
    %reduce_sum3A = arith.constant dense<0.000000e+00> : vector<4x512xf32>
    %reduce_sum3A_3 = vector.multi_reduction <add>, %get3A_2, %reduce_sum3A [0] : vector<32x4x512xf32> to vector<4x512xf32>
    %slice3A = vector.extract_strided_slice %reduce_sum3A_3 {offsets = [0, 0], sizes = [1, 512], strides = [1, 1]} : vector<4x512xf32> to vector<1x512xf32>
    %slice3A_4 = vector.extract_strided_slice %reduce_sum3A_3 {offsets = [1, 0], sizes = [1, 512], strides = [1, 1]} : vector<4x512xf32> to vector<1x512xf32>
    %slice3A_5 = vector.extract_strided_slice %reduce_sum3A_3 {offsets = [2, 0], sizes = [1, 512], strides = [1, 1]} : vector<4x512xf32> to vector<1x512xf32>
    %slice3A_6 = vector.extract_strided_slice %reduce_sum3A_3 {offsets = [3, 0], sizes = [1, 512], strides = [1, 1]} : vector<4x512xf32> to vector<1x512xf32>
    %broadcast_in_dim3A = arith.constant 0.000000e+00 : f32
    %broadcast_in_dim3A_7 = vector.broadcast %broadcast_in_dim3A : f32 to vector<1x1xf32>
    %slice3A_8 = vector.extract_strided_slice %slice3A {offsets = [0, 0], sizes = [1, 511], strides = [1, 1]} : vector<1x512xf32> to vector<1x511xf32>
    %concatenate3A = tpu.concatenate %broadcast_in_dim3A_7, %slice3A_8 in 1 : vector<1x1xf32>, vector<1x511xf32> -> vector<1x512xf32>
    %add3A = arith.addf %slice3A, %concatenate3A : vector<1x512xf32>
    %broadcast_in_dim3A_9 = arith.constant 0.000000e+00 : f32
    %broadcast_in_dim3A_10 = vector.broadcast %broadcast_in_dim3A_9 : f32 to vector<1x2xf32>
    %slice3A_11 = vector.extract_strided_slice %add3A {offsets = [0, 0], sizes = [1, 510], strides = [1, 1]} : vector<1x512xf32> to vector<1x510xf32>
    %concatenate3A_12 = tpu.concatenate %broadcast_in_dim3A_10, %slice3A_11 in 1 : vector<1x2xf32>, vector<1x510xf32> -> vector<1x512xf32>
    %add3A_13 = arith.addf %add3A, %concatenate3A_12 : vector<1x512xf32>
    %broadcast_in_dim3A_14 = arith.constant 0.000000e+00 : f32
    %broadcast_in_dim3A_15 = vector.broadcast %broadcast_in_dim3A_14 : f32 to vector<1x4xf32>
    %slice3A_16 = vector.extract_strided_slice %add3A_13 {offsets = [0, 0], sizes = [1, 508], strides = [1, 1]} : vector<1x512xf32> to vector<1x508xf32>
    %concatenate3A_17 = tpu.concatenate %broadcast_in_dim3A_15, %slice3A_16 in 1 : vector<1x4xf32>, vector<1x508xf32> -> vector<1x512xf32>
    %add3A_18 = arith.addf %add3A_13, %concatenate3A_17 : vector<1x512xf32>
    %broadcast_in_dim3A_19 = arith.constant 0.000000e+00 : f32
    %broadcast_in_dim3A_20 = vector.broadcast %broadcast_in_dim3A_19 : f32 to vector<1x8xf32>
    %slice3A_21 = vector.extract_strided_slice %add3A_18 {offsets = [0, 0], sizes = [1, 504], strides = [1, 1]} : vector<1x512xf32> to vector<1x504xf32>
    %concatenate3A_22 = tpu.concatenate %broadcast_in_dim3A_20, %slice3A_21 in 1 : vector<1x8xf32>, vector<1x504xf32> -> vector<1x512xf32>
    %add3A_23 = arith.addf %add3A_18, %concatenate3A_22 : vector<1x512xf32>
    %broadcast_in_dim3A_24 = arith.constant 0.000000e+00 : f32
    %broadcast_in_dim3A_25 = vector.broadcast %broadcast_in_dim3A_24 : f32 to vector<1x16xf32>
    %slice3A_26 = vector.extract_strided_slice %add3A_23 {offsets = [0, 0], sizes = [1, 496], strides = [1, 1]} : vector<1x512xf32> to vector<1x496xf32>
    %concatenate3A_27 = tpu.concatenate %broadcast_in_dim3A_25, %slice3A_26 in 1 : vector<1x16xf32>, vector<1x496xf32> -> vector<1x512xf32>
    %add3A_28 = arith.addf %add3A_23, %concatenate3A_27 : vector<1x512xf32>
    %broadcast_in_dim3A_29 = arith.constant 0.000000e+00 : f32
    %broadcast_in_dim3A_30 = vector.broadcast %broadcast_in_dim3A_29 : f32 to vector<1x32xf32>
    %slice3A_31 = vector.extract_strided_slice %add3A_28 {offsets = [0, 0], sizes = [1, 480], strides = [1, 1]} : vector<1x512xf32> to vector<1x480xf32>
    %concatenate3A_32 = tpu.concatenate %broadcast_in_dim3A_30, %slice3A_31 in 1 : vector<1x32xf32>, vector<1x480xf32> -> vector<1x512xf32>
    %add3A_33 = arith.addf %add3A_28, %concatenate3A_32 : vector<1x512xf32>
    %broadcast_in_dim3A_34 = arith.constant 0.000000e+00 : f32
    %broadcast_in_dim3A_35 = vector.broadcast %broadcast_in_dim3A_34 : f32 to vector<1x64xf32>
    %slice3A_36 = vector.extract_strided_slice %add3A_33 {offsets = [0, 0], sizes = [1, 448], strides = [1, 1]} : vector<1x512xf32> to vector<1x448xf32>
    %concatenate3A_37 = tpu.concatenate %broadcast_in_dim3A_35, %slice3A_36 in 1 : vector<1x64xf32>, vector<1x448xf32> -> vector<1x512xf32>
    %add3A_38 = arith.addf %add3A_33, %concatenate3A_37 : vector<1x512xf32>
    %broadcast_in_dim3A_39 = arith.constant 0.000000e+00 : f32
    %broadcast_in_dim3A_40 = vector.broadcast %broadcast_in_dim3A_39 : f32 to vector<1x128xf32>
    %slice3A_41 = vector.extract_strided_slice %add3A_38 {offsets = [0, 0], sizes = [1, 384], strides = [1, 1]} : vector<1x512xf32> to vector<1x384xf32>
    %concatenate3A_42 = tpu.concatenate %broadcast_in_dim3A_40, %slice3A_41 in 1 : vector<1x128xf32>, vector<1x384xf32> -> vector<1x512xf32>
    %add3A_43 = arith.addf %add3A_38, %concatenate3A_42 : vector<1x512xf32>
    %broadcast_in_dim3A_44 = arith.constant 0.000000e+00 : f32
    %broadcast_in_dim3A_45 = vector.broadcast %broadcast_in_dim3A_44 : f32 to vector<1x256xf32>
    %slice3A_46 = vector.extract_strided_slice %add3A_43 {offsets = [0, 0], sizes = [1, 256], strides = [1, 1]} : vector<1x512xf32> to vector<1x256xf32>
    %concatenate3A_47 = tpu.concatenate %broadcast_in_dim3A_45, %slice3A_46 in 1 : vector<1x256xf32>, vector<1x256xf32> -> vector<1x512xf32>
    %add3A_48 = arith.addf %add3A_43, %concatenate3A_47 : vector<1x512xf32>
    %sub3A = arith.subf %add3A_48, %slice3A : vector<1x512xf32>
    %broadcast_in_dim3A_49 = arith.constant 0.000000e+00 : f32
    %broadcast_in_dim3A_50 = vector.broadcast %broadcast_in_dim3A_49 : f32 to vector<1x1xf32>
    %slice3A_51 = vector.extract_strided_slice %slice3A_4 {offsets = [0, 0], sizes = [1, 511], strides = [1, 1]} : vector<1x512xf32> to vector<1x511xf32>
    %concatenate3A_52 = tpu.concatenate %broadcast_in_dim3A_50, %slice3A_51 in 1 : vector<1x1xf32>, vector<1x511xf32> -> vector<1x512xf32>
    %add3A_53 = arith.addf %slice3A_4, %concatenate3A_52 : vector<1x512xf32>
    %broadcast_in_dim3A_54 = arith.constant 0.000000e+00 : f32
    %broadcast_in_dim3A_55 = vector.broadcast %broadcast_in_dim3A_54 : f32 to vector<1x2xf32>
    %slice3A_56 = vector.extract_strided_slice %add3A_53 {offsets = [0, 0], sizes = [1, 510], strides = [1, 1]} : vector<1x512xf32> to vector<1x510xf32>
    %concatenate3A_57 = tpu.concatenate %broadcast_in_dim3A_55, %slice3A_56 in 1 : vector<1x2xf32>, vector<1x510xf32> -> vector<1x512xf32>
    %add3A_58 = arith.addf %add3A_53, %concatenate3A_57 : vector<1x512xf32>
    %broadcast_in_dim3A_59 = arith.constant 0.000000e+00 : f32
    %broadcast_in_dim3A_60 = vector.broadcast %broadcast_in_dim3A_59 : f32 to vector<1x4xf32>
    %slice3A_61 = vector.extract_strided_slice %add3A_58 {offsets = [0, 0], sizes = [1, 508], strides = [1, 1]} : vector<1x512xf32> to vector<1x508xf32>
    %concatenate3A_62 = tpu.concatenate %broadcast_in_dim3A_60, %slice3A_61 in 1 : vector<1x4xf32>, vector<1x508xf32> -> vector<1x512xf32>
    %add3A_63 = arith.addf %add3A_58, %concatenate3A_62 : vector<1x512xf32>
    %broadcast_in_dim3A_64 = arith.constant 0.000000e+00 : f32
    %broadcast_in_dim3A_65 = vector.broadcast %broadcast_in_dim3A_64 : f32 to vector<1x8xf32>
    %slice3A_66 = vector.extract_strided_slice %add3A_63 {offsets = [0, 0], sizes = [1, 504], strides = [1, 1]} : vector<1x512xf32> to vector<1x504xf32>
    %concatenate3A_67 = tpu.concatenate %broadcast_in_dim3A_65, %slice3A_66 in 1 : vector<1x8xf32>, vector<1x504xf32> -> vector<1x512xf32>
    %add3A_68 = arith.addf %add3A_63, %concatenate3A_67 : vector<1x512xf32>
    %broadcast_in_dim3A_69 = arith.constant 0.000000e+00 : f32
    %broadcast_in_dim3A_70 = vector.broadcast %broadcast_in_dim3A_69 : f32 to vector<1x16xf32>
    %slice3A_71 = vector.extract_strided_slice %add3A_68 {offsets = [0, 0], sizes = [1, 496], strides = [1, 1]} : vector<1x512xf32> to vector<1x496xf32>
    %concatenate3A_72 = tpu.concatenate %broadcast_in_dim3A_70, %slice3A_71 in 1 : vector<1x16xf32>, vector<1x496xf32> -> vector<1x512xf32>
    %add3A_73 = arith.addf %add3A_68, %concatenate3A_72 : vector<1x512xf32>
    %broadcast_in_dim3A_74 = arith.constant 0.000000e+00 : f32
    %broadcast_in_dim3A_75 = vector.broadcast %broadcast_in_dim3A_74 : f32 to vector<1x32xf32>
    %slice3A_76 = vector.extract_strided_slice %add3A_73 {offsets = [0, 0], sizes = [1, 480], strides = [1, 1]} : vector<1x512xf32> to vector<1x480xf32>
    %concatenate3A_77 = tpu.concatenate %broadcast_in_dim3A_75, %slice3A_76 in 1 : vector<1x32xf32>, vector<1x480xf32> -> vector<1x512xf32>
    %add3A_78 = arith.addf %add3A_73, %concatenate3A_77 : vector<1x512xf32>
    %broadcast_in_dim3A_79 = arith.constant 0.000000e+00 : f32
    %broadcast_in_dim3A_80 = vector.broadcast %broadcast_in_dim3A_79 : f32 to vector<1x64xf32>
    %slice3A_81 = vector.extract_strided_slice %add3A_78 {offsets = [0, 0], sizes = [1, 448], strides = [1, 1]} : vector<1x512xf32> to vector<1x448xf32>
    %concatenate3A_82 = tpu.concatenate %broadcast_in_dim3A_80, %slice3A_81 in 1 : vector<1x64xf32>, vector<1x448xf32> -> vector<1x512xf32>
    %add3A_83 = arith.addf %add3A_78, %concatenate3A_82 : vector<1x512xf32>
    %broadcast_in_dim3A_84 = arith.constant 0.000000e+00 : f32
    %broadcast_in_dim3A_85 = vector.broadcast %broadcast_in_dim3A_84 : f32 to vector<1x128xf32>
    %slice3A_86 = vector.extract_strided_slice %add3A_83 {offsets = [0, 0], sizes = [1, 384], strides = [1, 1]} : vector<1x512xf32> to vector<1x384xf32>
    %concatenate3A_87 = tpu.concatenate %broadcast_in_dim3A_85, %slice3A_86 in 1 : vector<1x128xf32>, vector<1x384xf32> -> vector<1x512xf32>
    %add3A_88 = arith.addf %add3A_83, %concatenate3A_87 : vector<1x512xf32>
    %broadcast_in_dim3A_89 = arith.constant 0.000000e+00 : f32
    %broadcast_in_dim3A_90 = vector.broadcast %broadcast_in_dim3A_89 : f32 to vector<1x256xf32>
    %slice3A_91 = vector.extract_strided_slice %add3A_88 {offsets = [0, 0], sizes = [1, 256], strides = [1, 1]} : vector<1x512xf32> to vector<1x256xf32>
    %concatenate3A_92 = tpu.concatenate %broadcast_in_dim3A_90, %slice3A_91 in 1 : vector<1x256xf32>, vector<1x256xf32> -> vector<1x512xf32>
    %add3A_93 = arith.addf %add3A_88, %concatenate3A_92 : vector<1x512xf32>
    %sub3A_94 = arith.subf %add3A_93, %slice3A_4 : vector<1x512xf32>
    %reduce_sum3A_95 = vector.shape_cast %slice3A_4 : vector<1x512xf32> to vector<1x1x512xf32>
    %reduce_sum3A_96 = arith.constant dense<0.000000e+00> : vector<1xf32>
    %reduce_sum3A_97 = vector.multi_reduction <add>, %reduce_sum3A_95, %reduce_sum3A_96 [1, 2] : vector<1x1x512xf32> to vector<1xf32>
    %reduce_sum3A_98 = vector.shape_cast %reduce_sum3A_97 : vector<1xf32> to vector<1x1x1xf32>
    %reduce_sum3A_99 = vector.extract %reduce_sum3A_98[0, 0, 0] : f32 from vector<1x1x1xf32>
    %add3A_100 = vector.broadcast %reduce_sum3A_99 : f32 to vector<1x512xf32>
    %add3A_101 = arith.addf %add3A_100, %sub3A : vector<1x512xf32>
    %mul3A = arith.constant 5.000000e-01 : f32
    %mul3A_102 = vector.broadcast %mul3A : f32 to vector<1x512xf32>
    %mul3A_103 = arith.mulf %mul3A_102, %slice3A : vector<1x512xf32>
    %add3A_104 = arith.addf %add3A_101, %mul3A_103 : vector<1x512xf32>
    %max3A = arith.constant 2.500000e-01 : f32
    %max3A_105 = vector.broadcast %max3A : f32 to vector<1x512xf32>
    %max3A_106 = arith.maximumf %add3A_104, %max3A_105 : vector<1x512xf32>
    %div3A = arith.divf %slice3A_6, %max3A_106 : vector<1x512xf32>
    %add3A_107 = arith.constant 1.000000e+00 : f32
    %add3A_108 = vector.broadcast %add3A_107 : f32 to vector<1x512xf32>
    %add3A_109 = arith.addf %slice3A, %add3A_108 : vector<1x512xf32>
    %mul3A_110 = arith.constant 5.000000e-01 : f32
    %mul3A_111 = vector.broadcast %mul3A_110 : f32 to vector<1x512xf32>
    %mul3A_112 = arith.mulf %mul3A_111, %add3A_109 : vector<1x512xf32>
    %add3A_113 = arith.addf %sub3A, %mul3A_112 : vector<1x512xf32>
    %add3A_114 = vector.broadcast %reduce_sum3A_99 : f32 to vector<1x512xf32>
    %add3A_115 = arith.addf %add3A_114, %add3A_113 : vector<1x512xf32>
    %sub3A_116 = arith.constant 1.000000e+00 : f32
    %sub3A_117 = vector.broadcast %sub3A_116 : f32 to vector<1x512xf32>
    %sub3A_118 = arith.subf %add3A_115, %sub3A_117 : vector<1x512xf32>
    %add3A_119 = vector.broadcast %reduce_sum3A_99 : f32 to vector<1x512xf32>
    %add3A_120 = arith.addf %add3A_119, %add3A_113 : vector<1x512xf32>
    %mul3A_121 = arith.mulf %sub3A_118, %add3A_120 : vector<1x512xf32>
    %max3A_122 = arith.constant 2.500000e-01 : f32
    %max3A_123 = vector.broadcast %max3A_122 : f32 to vector<1x512xf32>
    %max3A_124 = arith.maximumf %mul3A_121, %max3A_123 : vector<1x512xf32>
    %sub3A_125 = vector.broadcast %reduce_sum3A_99 : f32 to vector<1x512xf32>
    %sub3A_126 = arith.subf %sub3A_125, %sub3A_94 : vector<1x512xf32>
    %mul3A_127 = arith.constant 5.000000e-01 : f32
    %mul3A_128 = vector.broadcast %mul3A_127 : f32 to vector<1x512xf32>
    %mul3A_129 = arith.mulf %mul3A_128, %slice3A_4 : vector<1x512xf32>
    %sub3A_130 = arith.subf %sub3A_126, %mul3A_129 : vector<1x512xf32>
    %mul3A_131 = arith.mulf %slice3A_5, %sub3A_130 : vector<1x512xf32>
    %div3A_132 = arith.divf %mul3A_131, %max3A_124 : vector<1x512xf32>
    %add3A_133 = arith.addf %div3A, %div3A_132 : vector<1x512xf32>
    %reduce_sum3A_134 = vector.shape_cast %add3A_133 : vector<1x512xf32> to vector<1x1x512xf32>
    %reduce_sum3A_135 = arith.constant dense<0.000000e+00> : vector<1xf32>
    %reduce_sum3A_136 = vector.multi_reduction <add>, %reduce_sum3A_134, %reduce_sum3A_135 [1, 2] : vector<1x1x512xf32> to vector<1xf32>
    %reduce_sum3A_137 = vector.shape_cast %reduce_sum3A_136 : vector<1xf32> to vector<1x1x1xf32>
    %reduce_sum3A_138 = vector.extract %reduce_sum3A_137[0, 0, 0] : f32 from vector<1x1x1xf32>
    %broadcast_in_dim3A_139 = vector.broadcast %reduce_sum3A_138 : f32 to vector<1x1xf32>
    %swap3A = arith.constant 0 : index
    %swap3A_140 = arith.constant 0 : index
    %swap3A_141 = vector.load %arg1[%swap3A, %swap3A_140] : memref<1x1xf32, #tpu.memory_space<vmem>>, vector<1x1xf32>
    tpu.vector_store %arg1[%swap3A, %swap3A_140], %broadcast_in_dim3A_139 {strides = array<i32>} : memref<1x1xf32, #tpu.memory_space<vmem>>, vector<1x1xf32>,
    return
  }
}

</mosaic_0001>

<sc_bundles>
// kernel: kernel.4.cloned.1.call-start
scs
__scs_entry_jumppad:
0x0: {  	(pc) =	sbr.rel $0x88, $3  }
0x1: {  	(tag) =	ssettag $0x0;
	lr =	simm.s32 $0x1  }
0x2: {  	[smem:$0x3F9F] =	sst lr;
	_ =	strace $0xD0000000  }
0x3: {  	_ = 	snop  }
0x4: {  	_ = 	snop  }
0x5: {  	_ = 	snop  }
0x6: {  	_ = 	snop  }
0x7: {  	_ = 	snop  }
__scs_overlays_trampoline_lowered:
0x8: {  	[smem:$0x3FAE] =	sst s0  }
0x9: {  	[smem:$0x3FAF] =	sst s1  }
0xa: {  	[smem:$0x3FB0] =	sst s2  }
0xb: {  	[smem:$0x3FB1] =	sst s3  }
0xc: {  	[smem:$0x3FB2] =	sst s4  }
0xd: {  	[smem:$0x3FB3] =	sst s5  }
0xe: {  	[smem:$0x3FB4] =	sst s6  }
0xf: {  	[smem:$0x3FB5] =	sst s7  }
0x10: {  	[smem:$0x3FB6] =	sst s8  }
0x11: {  	[smem:$0x3FB7] =	sst s9;
	s0 =	simm.s32 @!p0 $0x0  }
0x12: {  	s1 =	sld [smem:$0x3F9D];
	s0 =	simm.s32 @p0 $0x1  }
0x13: {  	[smem:$0x3FB8] =	sst s0;
	s0 =	simm.s32 @!p1 $0x0  }
0x14: {  	s2 =	sld [smem:$0x3F9C];
	s0 =	simm.s32 @p1 $0x1  }
0x15: {  	[smem:$0x3FB9] =	sst s0;
	s0 =	simm.s32 @!p2 $0x0  }
0x16: {  	s3 =	sld [smem:$0x3FDB];
	s0 =	simm.s32 @p2 $0x1  }
0x17: {  	s4 =	simm.s32 $0x1BF5;
	[smem:$0x3FBB] =	sst s0  }
0x18: {  	s0 =	sld [smem:$0x3F9E];
	_ =	swait.ge [sflag:s4], $0x0  }
0x19: {  	s7 =	sld [smem:$0x3F9F]  }
0x1a: {  	s8 =	sadd.s32 $0xFFFFE003, lr  }
0x1b: {  	s9 =	sadd.s32 $0xFFFFFEF7, lr;
	s5 =	simm.s32 $0xFFFFFFFF;
	p2 =	slt.u32 s8, $0xFFFFF086  }
0x1c: {  	p1 =	slt.u32 s9, $0xF7A;
	s5 =	simm.s32 @!p2 $0x0  }
0x1d: {  	s5 =	simm.s32 @p1 $0x1;
	p0 =	seq.s32 s7, s2  }
0x1e: {  	s7 =	smul.u32 @!p0 $0xF7A, s2;
	p2 =	seq.s32 @!p0 s5, $0x0  }
0x1f: {  	s9 =	smul.u32 $0xF7A, s1;
	s8 =	simm.s32 @!p0 $0x1BF5;
	p2 =	por !p2, p0  }
0x20: {  	[sflag:s8] =	ssyncset.s32 @!p0 $0xFFFFF086;
	s6 =	sadd.s32 @!p0 s3, s7;
	s7 =	simm.s32 @!p0 $0x108  }
0x21: {  	s3 =	sadd.s32 s3, s9;
	s6 =	sadd.s32 @!p0 $0x88, s6;
	s7 =	simm.s32 @p2 $0x1082  }
0x22: {  	[simem:s7], [sflag:s8] =	dma.local @!p0 [hbm:s6], $0xF7A  }
0x23: {  	s9 =	sor.u32 $0xD0000000, s2;
	s6 =	simm.s32 $0x108;
	_ =	swait.ge @!p0 [sflag:s8], $0x0  }
0x24: {  	s3 =	sadd.s32 $0x88, s3;
	s6 =	simm.s32 @!p1 $0x1082;
	[sflag:s4] =	ssyncset.s32 $0xFFFFF086  }
0x25: {  	[simem:s6], [sflag:s4] =	dma.local [hbm:s3], $0xF7A  }
0x26: {  	[smem:$0x3F9F] =	sst s1;
	(tag) =	ssettag s2;
	_ =	strace s9  }
0x27: {  	s1 =	sld [smem:$0x3FAF]  }
0x28: {  	s2 =	sld [smem:$0x3FB0]  }
0x29: {  	s4 =	sld [smem:$0x3FB2]  }
0x2a: {  	p0 =	seq.s32 s5, $0x0;
	s5 =	sld [smem:$0x3FB3]  }
0x2b: {  	s6 =	sld [smem:$0x3FB4]  }
0x2c: {  	s7 =	sld [smem:$0x3FB5]  }
0x2d: {  	s3 =	simm.s32 $0x108;
	s8 =	sld [smem:$0x3FB6]  }
0x2e: {  	s3 =	simm.s32 @!p0 $0x1082;
	s9 =	sld [smem:$0x3FB7]  }
0x2f: {  	lr =	sadd.s32 s0, s3;
	s0 =	sld [smem:$0x3FAE]  }
0x30: {  	s3 =	sld [smem:$0x3FB1]  }
0x31: {  	[smem:$0x3FBA] =	sst s10  }
0x32: {  	s10 =	sld [smem:$0x3FB8];
	_ =	sdelay $0x3  }
0x33: {  	p0 =	seq.s32 s10, $0x1;
	s10 =	sld [smem:$0x3FBA];
	_ =	sdelay $0x3  }
0x34: {  	[smem:$0x3FBA] =	sst s10  }
0x35: {  	s10 =	sld [smem:$0x3FB9];
	_ =	sdelay $0x3  }
0x36: {  	p1 =	seq.s32 s10, $0x1;
	s10 =	sld [smem:$0x3FBA];
	_ =	sdelay $0x3  }
0x37: {  	[smem:$0x3FBA] =	sst s10  }
0x38: {  	s10 =	sld [smem:$0x3FBB]  }
0x39: {  	_ = 	snop;
	(pc) =	sbr.ind lr, $3  }
0x3a: {  	_ = 	snop  }
0x3b: {  	_ = 	snop  }
0x3c: {  	p2 =	seq.s32 s10, $0x1;
	s10 =	sld [smem:$0x3FBA]  }
0x3d: {  	_ =	shalt  }
0x3e: {  	_ =	shalt  }
0x3f: {  	_ =	shalt  }
0x40: {  	_ =	shalt  }
0x41: {  	_ =	shalt  }
0x42: {  	_ =	shalt  }
0x43: {  	_ =	shalt  }
0x44: {  	_ =	shalt  }
0x45: {  	_ =	shalt  }
0x46: {  	_ =	shalt  }
0x47: {  	_ =	shalt  }
0x48: {  	_ =	shalt  }
0x49: {  	_ =	shalt  }
0x4a: {  	_ =	shalt  }
0x4b: {  	_ =	shalt  }
0x4c: {  	_ =	shalt  }
0x4d: {  	_ =	shalt  }
0x4e: {  	_ =	shalt  }
0x4f: {  	_ =	shalt  }
0x50: {  	_ =	shalt  }
0x51: {  	_ =	shalt  }
0x52: {  	_ =	shalt  }
0x53: {  	_ =	shalt  }
0x54: {  	_ =	shalt  }
0x55: {  	_ =	shalt  }
0x56: {  	_ =	shalt  }
0x57: {  	_ =	shalt  }
0x58: {  	_ =	shalt  }
0x59: {  	_ =	shalt  }
0x5a: {  	_ =	shalt  }
0x5b: {  	_ =	shalt  }
0x5c: {  	_ =	shalt  }
0x5d: {  	_ =	shalt  }
0x5e: {  	_ =	shalt  }
0x5f: {  	_ =	shalt  }
0x60: {  	_ =	shalt  }
0x61: {  	_ =	shalt  }
0x62: {  	_ =	shalt  }
0x63: {  	_ =	shalt  }
0x64: {  	_ =	shalt  }
0x65: {  	_ =	shalt  }
0x66: {  	_ =	shalt  }
0x67: {  	_ =	shalt  }
0x68: {  	_ =	shalt  }
0x69: {  	_ =	shalt  }
0x6a: {  	_ =	shalt  }
0x6b: {  	_ =	shalt  }
0x6c: {  	_ =	shalt  }
0x6d: {  	_ =	shalt  }
0x6e: {  	_ =	shalt  }
0x6f: {  	_ =	shalt  }
0x70: {  	_ =	shalt  }
0x71: {  	_ =	shalt  }
0x72: {  	_ =	shalt  }
0x73: {  	_ =	shalt  }
0x74: {  	_ =	shalt  }
0x75: {  	_ =	shalt  }
0x76: {  	_ =	shalt  }
0x77: {  	_ =	shalt  }
0x78: {  	_ =	shalt  }
0x79: {  	_ =	shalt  }
0x7a: {  	_ =	shalt  }
0x7b: {  	_ =	shalt  }
0x7c: {  	_ =	shalt  }
0x7d: {  	_ =	shalt  }
0x7e: {  	_ =	shalt  }
0x7f: {  	_ =	shalt  }
0x80: {  	_ =	shalt  }
0x81: {  	_ =	shalt  }
0x82: {  	_ =	shalt  }
0x83: {  	_ =	shalt  }
0x84: {  	_ =	shalt  }
0x85: {  	_ =	shalt  }
0x86: {  	_ =	shalt  }
0x87: {  	_ =	shalt  }
.Lfunc_end0:
.L_simem_size_0:
called_computation_lowered:
.L_overlay_start_0:
0x88: {  	s2 =	sld [smem:$0x3FD9]  }
0x89: {  	s3 =	sld [smem:$0x3FFE];
	_ =	sdelay $0x1  }
0x8a: {  	s1 =	srdreg.scid  }
0x8b: {  	s0 =	sand.u32 $0x1, s1  }
0x8c: {  	s17 =	sshll.u32 s0, $0xA;
	s2 =	sadd.s32 s3, s2  }
0x8d: {  	s2 =	sadd.s32 s2, s17  }
0x8e: {  	[smem:$0x3FC6] =	sst s2  }
0x8f: {  	_ = 	snop  }
0x90: {  	s2 =	sld [smem:$0x3FC9]  }
0x91: {  	s18 =	sld [smem:$0x3FC8];
	(tm) =	ssettm $0x1  }
0x92: {  	s4 =	sld [smem:$0x3FFB];
	_ =	sdelay $0x3  }
0x93: {  	_ =	strace s4  }
0x94: {  	s4 =	sld [smem:$0x3FFC];
	_ =	sdelay $0x3  }
0x95: {  	_ =	strace s4  }
0x96: {  	s4 =	sld [smem:$0x3FFD];
	_ =	sdelay $0x3  }
0x97: {  	_ =	strace s4  }
0x98: {  	_ =	strace $0x8FFFFFFF  }
0x99: {  	s19 =	sld [smem:$0x3FDB];
	_ =	sdelay $0x1  }
0x9a: {  	s5 =	simm.s32 $_scs_section_size  }
0x9b: {  	s6 =	simm.s32 $_size__tile_overlayer_lowered;
	s7 =	simm.s32 $_tile_overlayer_lowered  }
0x9c: {  	s22 =	simm.s32 $0x1BFF;
	s21 =	sshll.u32 s7, $0x1;
	s4 =	sadd.s32 s5, s19  }
0x9d: {  	s8 =	simm.s32 $0x0;
	s20 =	sshll.u32 s6, $0x1;
	s6 =	sadd.s32 s21, s4  }
0x9e: {  	[timem:s8], [sflag:s22] =	dma.local [hbm:s6], s20  }
0x9f: {  	_ =	swait.ge [sflag:s22], s20  }
0xa0: {  	s5 =	ssub.s32 $0x0, s20;
	[sflag:s22] =	ssyncset.done $0x0  }
0xa1: {  	[sflag:s22] =	ssyncadd.s32 s5;
	_ =	sdelay $0x1  }
0xa2: {  	s23 =	simm.s32 $0x1B8B  }
0xa3: {  	_ =	swait.ge [sflag:s23], $0x1  }
0xa4: {  	[sflag:s23] =	ssyncset.done $0x0  }
0xa5: {  	s25 =	simm.s32 $0x1B8E;
	s24 =	sld [smem:$0x3FFE];
	[sflag:s23] =	ssyncadd.s32 $0xFFFFFFFF  }
0xa6: {  	s26 =	simm.s32 $execute0_lowered;
	[smem:$0x3FD2] =	sst s25  }
0xa7: {  	s6 =	sshll.u32 s26, $0x1;
	_ =	strace $0x80000046;
	[dreg:$0x1] =	wrdreg $0xFFFFFFFF  }
0xa8: {  	s28 =	simm.s32 $_size_execute0_lowered;
	s4 =	sadd.s32 s4, s6;
	[dreg:$0x0] =	wrdreg $0x0  }
0xa9: {  	s6 =	sshll.u32 s28, $0x1;
	[dreg:$0x2] =	wrdreg s4  }
0xaa: {  	[dreg:$0x3] =	wrdreg s6  }
0xab: {  	[dreg:$0x4] =	wrdreg $0xC0  }
0xac: {  	_ =	task [dreg:s8], $0x5FFFF  }
0xad: {  	[dreg:$0x1] =	wrdreg $0xFFFFFFFF  }
0xae: {  	[dreg:$0x0] =	wrdreg $0x60  }
0xaf: {  	[dreg:$0x2] =	wrdreg s2  }
0xb0: {  	[dreg:$0x3] =	wrdreg s18  }
0xb1: {  	[dreg:$0x4] =	wrdreg s24  }
0xb2: {  	[dreg:$0x5] =	wrdreg $0x9  }
0xb3: {  	_ =	task.clear_ibuf [dreg:s8], $0x6FFFF;
	_ =	strace $0x90000046  }
0xb4: {  	s29 =	simm.s32 $0x9;
	_ =	strace $0x80000048  }
0xb5: {  	_ =	swait.ge [sflag:s29], $0x1  }
0xb6: {  	[sflag:s29] =	ssyncadd.s32 $0xFFFFFFFF  }
0xb7: {  	_ =	strace $0x90000048  }
0xb8: {  	_ =	sfence  }
0xb9: {  	s30 =	sld [smem:$0x0];
	_ =	sdelay $0x2  }
0xba: {  	s31 =	sshll.u32 s1, $0xD;
	s1 =	sshrl.u32 s1, $0x2  }
0xbb: {  	s3 =	sand.u32 $0x4000, s31;
	s1 =	sadd.s32 s1, s30  }
0xbc: {  	s0 =	sor.u32 s3, s0;
	s1 =	sshll.u32 s1, $0x11  }
0xbd: {  	s0 =	sor.u32 s1, s0  }
0xbe: {  	s0 =	sadd.s32 $0x8F2B, s0  }
0xbf: {  	[sflag:s0] =	ssyncadd.remote.s32 $0x1  }
0xc0: {  	_ =	sfence.sel $0xFFFF  }
0xc1: {  	[dreg:$0x0] =	wrdreg $0xFFFFFFFF;
	(pc) =	sbr.abs _section_cstart, $3  }
0xc2: {  	[dreg:$0x1] =	wrdreg $0xFFFFFFFF  }
0xc3: {  	_ =	task.clear_ibuf [dreg:s8], $0x2FFFF;
	_ =	strace $0x9FFFFFFF  }
0xc4: {  	(tm) =	ssettm $0x7FFFFFFF  }
0xc5: {  	_ =	shalt  }
tec
execute0_lowered:
.L_overlay_start_1:
0x0: {  	(tag) =	ssettag $0x1  }
0x1: {  	s1 =	rddreg [dreg:$0x0]  }
0x2: {  	s2 =	rddreg [dreg:$0x1]  }
0x3: {  	s4 =	rddreg [dreg:$0x2]  }
0x4: {  	s0 =	rddreg [dreg:$0x3]  }
0x5: {  	s3 =	simm.s32 $0x0;
	s5 =	srdreg.scid;
	s12 =	simm.s32 $0x4000  }
0x6: {  	s13 =	simm.s32 $0x6000;
	s14 =	simm.s32 $0x1;
	s15 =	simm.s32 $0x2  }
0x7: {  	s16 =	simm.s32 $0x8000;
	s17 =	simm.s32 $0x3;
	s18 =	simm.s32 $0x4  }
0x8: {  	s19 =	simm.s32 $0x10000;
	s20 =	simm.s32 $0x80;
	s21 =	simm.s32 $0x400  }
0x9: {  	s22 =	simm.s32 $0x5;
	[smem:$0x7FF] =	sst s3;
	s5 =	sand.u32 $0x1, s5  }
0xa: {  	_ =	strace $0x80000047;
	s6 =	sshll.u32 s5, $0x4;
	s7 =	ssub.s32 $0x2, s5  }
0xb: {  	s6 =	sadd.s32 s6, s4;
	s4 =	stileid.u32;
	s8 =	sshrl.u32 s7, $0x1  }
0xc: {  	s5 =	sshll.u32 s5, $0x11;
	s9 =	sshll.u32 s4, $0x12;
	s10 =	ssub.s32 s7, s8  }
0xd: {  	s29 =	sshll.u32 s4, $0x5;
	s31 =	sshll.u32 s4, $0x9;
	s28 =	sor.u32 s5, s9  }
0xe: {  	s11 =	sand.u32 $0x60, s29;
	s9 =	sand.u32 $0x1800, s31;
	s10 =	smax.u32 s10, $0x1  }
0xf: {  	s30 =	sshrl.u32 s28, $0x3;
	s11 =	sadd.s32 s11, s6;
	s7 =	sor.u32 $0x2000, s28  }
0x10: {  	v0 =	vimm.f32 $0.0e+00;
	v1 =	vlaneseq.u32;
	s8 =	sor.u32 $0x4000, s28;
	s5 =	sadd.s32 s1, s30;
	s9 =	sadd.s32 s9, s11  }
0x11: {  	v2 =	vimm.f32 $1.000000000e+00;
	vm0 =	vcmask $0x3F3C;
	v3 =	vor.u32 $0x4000, v1;
	s6 =	sadd.s32 s2, s30;
	s11 =	simm.s32 $0x2000;
	s9 =	sadd.s32 $0x400, s9  }
.LBB2_1:
0x12: {  	s23 =	simm.s32 $0x8040  }
0x13: {  	[tilespmem:s23+$0xFFFFFFC0] =	vst v0  }
0x14: {  	[tilespmem:s23+$0x30] =	vst v0  }
0x15: {  	[tilespmem:s23+$0x20] =	vst v0  }
0x16: {  	[tilespmem:s23+$0x10] =	vst v0  }
0x17: {  	[tilespmem:s23+$0x0] =	vst v0  }
0x18: {  	[tilespmem:s23+$0xFFFFFFF0] =	vst v0  }
0x19: {  	s24 =	simm.s32 $0x0;
	[tilespmem:s23+$0xFFFFFFE0] =	vst v0  }
.LBB2_2:
0x1a: {  	s24 =	sadd.s32 $0x8, s24;
	[tilespmem:s23+$0xFFFFFFD0] =	vst v0;
	s23 =	sadd.s32 $0x80, s23  }
0x1b: {  	[tilespmem:s23+$0xFFFFFFC0] =	vst v0;
	p0 =	slt.u32 s24, $0x7F8  }
0x1c: {  	[tilespmem:s23+$0x30] =	vst v0  }
.Ltmp0:
0x1d: {  	[tilespmem:s23+$0x20] =	vst v0;
	(pc) =	sbr.rel @p0 .LBB2_2-.Ltmp0, $4  }
0x1e: {  	[tilespmem:s23+$0x10] =	vst v0  }
0x1f: {  	[tilespmem:s23+$0x0] =	vst v0  }
0x20: {  	[tilespmem:s23+$0xFFFFFFF0] =	vst v0  }
0x21: {  	[tilespmem:s23+$0xFFFFFFE0] =	vst v0  }
0x22: {  	[tilespmem:s23+$0xFFFFFFD0] =	vst v0;
	s23 =	simm.s32 $0x0  }
0x23: {  	[tilespmem:s23], [sflag:$0x1] =	stream.linear.gather [hbm4b:s5+s23], $0x2000, $0x38;
	[tilespmem:$0x10800] =	vst v63  }
0x24: {  	s24 =	simm.s32 $0x0  }
0x25: {  	[tilespmem:s11], [sflag:$0x2] =	stream.linear.gather [hbm4b:s6+s23], $0x2000, $0x38;
	[tilespmem:$0x10800] =	vst v63  }
.LBB2_4:
0x26: {  	s25 =	sshll.u32 s24, $0xE  }
0x27: {  	s25 =	sadd.s32 s7, s25  }
0x28: {  	s25 =	sshrl.u32 s25, $0x3  }
0x29: {  	s26 =	sadd.s32 s1, s25  }
0x2a: {  	[tilespmem:s12], [sflag:$0x3] =	stream.linear.gather [hbm4b:s26+s23], $0x2000, $0x38;
	[tilespmem:$0x10800] =	vst v63  }
0x2b: {  	s25 =	sadd.s32 s2, s25  }
0x2c: {  	[tilespmem:s13], [sflag:$0x4] =	stream.linear.gather [hbm4b:s25+s23], $0x2000, $0x38;
	[tilespmem:$0x10800] =	vst v63  }
0x2d: {  	_ =	swait.ge [sflag:s14], $0x2000  }
0x2e: {  	[sflag:s14] =	ssyncset.done $0x0  }
0x2f: {  	s29 =	simm.s32 $0x0;
	s30 =	sand.u32 $0xC00, s23;
	[sflag:s14] =	ssyncadd.s32 $0xFFFFE000  }
0x30: {  	s28 =	simm.s32 $0x0;
	s25 =	sand.u32 $0x1000, s29;
	_ =	swait.ge [sflag:s15], $0x2000  }
0x31: {  	s31 =	sand.u32 $0x380, s28;
	s25 =	sor.u32 s30, s25;
	[sflag:s15] =	ssyncset.done $0x0  }
0x32: {  	s25 =	sor.u32 s31, s25;
	[sflag:s15] =	ssyncadd.s32 $0xFFFFE000  }
0x33: {  	v9 =	vld [tilespmem:s25+$0x2070]  }
0x34: {  	v4 =	vld [tilespmem:s25+$0x70]  }
0x35: {  	v5 =	vld [tilespmem:s25+$0x2000]  }
0x36: {  	v6 =	vld [tilespmem:s25+$0x2010]  }
0x37: {  	v7 =	vld [tilespmem:s25+$0x2020]  }
0x38: {  	v8 =	vld [tilespmem:s25+$0x2030]  }
0x39: {  	v11 =	vld [tilespmem:s25+$0x2040]  }
0x3a: {  	v13 =	vld [tilespmem:s25+$0x2050]  }
0x3b: {  	v17 =	vld [tilespmem:s25+$0x2060]  }
0x3c: {  	v18 =	vld [tilespmem:s25+$0x0]  }
0x3d: {  	v22 =	vld [tilespmem:s25+$0x20];
	v10 =	vshll.u32 v9, $0x1F  }
0x3e: {  	v24 =	vld [tilespmem:s25+$0x30];
	v12 =	vshll.u32 v5, $0x1F;
	v16 =	vshll.u32 v5, $0xD;
	v15 =	vshll.u32 v6, $0x1F  }
0x3f: {  	v25 =	vld [tilespmem:s25+$0x40];
	v19 =	vshll.u32 v7, $0x1F;
	v5 =	vshll.u32 v7, $0xD;
	v21 =	vshll.u32 v8, $0x1F  }
0x40: {  	v29 =	vld [tilespmem:s25+$0x60];
	v23 =	vshll.u32 v11, $0x1F;
	v7 =	vshll.u32 v11, $0xD;
	v11 =	vshll.u32 v13, $0x1F  }
0x41: {  	v26 =	vshll.u32 v17, $0x1F;
	v9 =	vshll.u32 v9, $0xD;
	v10 =	vxor.u32 v4, v10  }
0x42: {  	v17 =	vshll.u32 v17, $0xD;
	v4 =	vshll.u32 v6, $0xD;
	v14 =	vmul.f32 $3.200000000e+01, v10  }
0x43: {  	v6 =	vshll.u32 v8, $0xD;
	v12 =	vxor.u32 v18, v12;
	v18 =	vld [tilespmem:s25+$0x50];
	v20 =	vadd.f32 $1.000000000e+00, v10  }
0x44: {  	v19 =	vxor.u32 v22, v19;
	v21 =	vxor.u32 v24, v21;
	v10 =	vsub.f32 $2.560000000e+02, v14  }
0x45: {  	v22 =	vxor.u32 v25, v23;
	v24 =	vxor.u32 v29, v26;
	v14 =	vld [tilespmem:s25+$0x10];
	v8 =	vmul.f32 $1.442695020e+00, v20  }
0x46: {  	v27 =	vmul.f32 $3.200000000e+01, v12;
	v26 =	vadd.f32 $1.000000000e+00, v20;
	v10 =	vmax.f32 v10, $0.0e+00  }
0x47: {  	vm1 =	vgt.f32 v20, $0.0e+00;
	(erf) = vpow2.f32 v8;
	v10 =	vmin.f32 v10, $5.110000000e+02  }
0x48: {  	v8 =	vshll.u32 v13, $0xD;
	v18 =	vxor.u32 v18, v11;
	v10 =	vtrunc.f32 v10  }
0x49: {  	v11 =	vadd.f32 $1.000000000e+00, v18;
	v18 =	vmul.f32 $3.200000000e+01, v18;
	v13 =	vcvt.f32.s32 v10  }
0x4a: {  	v10 =	vadd.f32 $1.000000000e+00, v12;
	v28 =	vxor.u32 v14, v15;
	v15 =	vadd.f32 $1.000000000e+00, v19  }
0x4b: {  	v19 =	vmul.f32 $3.200000000e+01, v19;
	v31 =	vmul.f32 $1.442695020e+00, v11;
	v18 =	vsub.f32 $2.560000000e+02, v18  }
0x4c: {  	v14 =	vadd.f32 $1.000000000e+00, v28;
	v25 =	vmul.f32 $3.200000000e+01, v28;
	v12 =	vshll.u32 v13, $0x4  }
0x4d: {  	v13 =	vadd.f32 $1.000000000e+00, v22;
	v22 =	vmul.f32 $3.200000000e+01, v22;
	v28 =	vmul.f32 $1.442695020e+00, v15  }
0x4e: {  	v19 =	vsub.f32 $2.560000000e+02, v19;
	v18 =	vmax.f32 v18, $0.0e+00;
	v9 =	vadd.s32 v9, v12  }
0x4f: {  	v12 =	vadd.f32 $1.000000000e+00, v21;
	v21 =	vmul.f32 $3.200000000e+01, v21;
	v25 =	vsub.f32 $2.560000000e+02, v25  }
0x50: {  	v23 =	vor.u32 v1, v9;
	v32 =	vadd.s32 v3, v9;
	v9 =	vadd.f32 $1.000000000e+00, v24  }
0x51: {  	v24 =	vmul.f32 $3.200000000e+01, v24;
	v30 =	vmul.f32 $1.442695020e+00, v13;
	v22 =	vsub.f32 $2.560000000e+02, v22  }
0x52: {  	v19 =	vmax.f32 v19, $0.0e+00;
	v29 =	vmul.f32 $1.442695020e+00, v12;
	v21 =	vsub.f32 $2.560000000e+02, v21;
	v20 =	vpop (erf)  }
0x53: {  	v25 =	vmax.f32 v25, $0.0e+00;
	v35 =	vsel vm1, v26, v20;
	v20 =	vmul.f32 $1.442695020e+00, v10  }
0x54: {  	v19 =	vmin.f32 v19, $5.110000000e+02;
	v26 =	vsub.f32 $2.560000000e+02, v27;
	v27 =	vmul.f32 $1.442695020e+00, v14  }
0x55: {  	v33 =	vmul.f32 $1.442695020e+00, v9;
	v24 =	vsub.f32 $2.560000000e+02, v24;
	(erf) = vpow2.f32 v20  }
0x56: {  	v22 =	vmax.f32 v22, $0.0e+00;
	v25 =	vmin.f32 v25, $5.110000000e+02;
	(erf) = vpow2.f32 v27  }
0x57: {  	v21 =	vmax.f32 v21, $0.0e+00;
	v22 =	vmin.f32 v22, $5.110000000e+02;
	(erf) = vpow2.f32 v28  }
0x58: {  	v25 =	vtrunc.f32 v25;
	v24 =	vmax.f32 v24, $0.0e+00;
	(erf) = vpow2.f32 v29  }
0x59: {  	v36 =	vcvt.f32.s32 v25;
	v20 =	vmax.f32 v26, $0.0e+00;
	(erf) = vpow2.f32 v30  }
0x5a: {  	v26 =	vmin.f32 v21, $5.110000000e+02;
	v21 =	vadd.f32 $1.000000000e+00, v10;
	(erf) = vpow2.f32 v31  }
0x5b: {  	v20 =	vmin.f32 v20, $5.110000000e+02;
	v27 =	vmin.f32 v18, $5.110000000e+02;
	(erf) = vpow2.f32 v33  }
0x5c: {  	v18 =	vadd.f32 $1.000000000e+00, v14;
	v26 =	vtrunc.f32 v26;
	v20 =	vtrunc.f32 v20  }
0x5d: {  	v28 =	vmin.f32 v24, $5.110000000e+02;
	v26 =	vcvt.f32.s32 v26;
	v29 =	vtrunc.f32 v19  }
0x5e: {  	v19 =	vadd.f32 $1.000000000e+00, v15;
	v63 =	vcvt.f32.s32 v20;
	v30 =	vtrunc.f32 v22;
	v24 =	vpop (erf)  }
0x5f: {  	v20 =	vadd.f32 $1.000000000e+00, v12;
	v31 =	vtrunc.f32 v27;
	v30 =	vcvt.f32.s32 v30;
	v27 =	vpop (erf)  }
0x60: {  	v34 =	vtrunc.f32 v28;
	v37 =	vcvt.f32.s32 v29;
	v22 =	vadd.f32 $1.000000000e+00, v13;
	v28 =	vpop (erf)  }
0x61: {  	v39 =	vcvt.f32.s32 v34;
	v34 =	vadd.f32 $1.000000000e+00, v11;
	v38 =	vshll.u32 v63, $0x4;
	v25 =	vpop (erf)  }
0x62: {  	v33 =	vshll.u32 v36, $0x4;
	v31 =	vcvt.f32.s32 v31;
	v37 =	vshll.u32 v37, $0x4;
	v29 =	vpop (erf)  }
0x63: {  	[tilespmem:v23+s16+$0x0] =	vst.idx.add.f32.msk $0xffff, v2;
	v36 =	vshll.u32 v26, $0x4;
	v23 =	vshll.u32 v39, $0x4;
	v26 =	vshll.u32 v30, $0x4;
	v30 =	vpop (erf)  }
0x64: {  	s26 =	simm.s32 $0x0;
	s25 =	simm.s32 $0x0;
	[tilespmem:v32+s16+$0x0] =	vst.idx.add.f32.msk $0xffff, v35;
	v35 =	vadd.s32 v16, v38;
	v16 =	vadd.f32 $1.000000000e+00, v9;
	v31 =	vshll.u32 v31, $0x4;
	v32 =	vpop (erf)  }
.LBB2_5:
0x65: {  	s25 =	sadd.s32 $0x8, s25;
	v4 =	vadd.s32 v4, v33;
	v5 =	vadd.s32 v5, v37;
	v6 =	vadd.s32 v6, v36  }
0x66: {  	v7 =	vadd.s32 v7, v26;
	v8 =	vadd.s32 v8, v31;
	v17 =	vadd.s32 v17, v23;
	s26 =	sadd.s32 $0x400, s26;
	s28 =	sshll.u32 s25, $0x4;
	p0 =	slt.u32 s25, $0x1F8  }
0x67: {  	vm2 =	vgt.f32 v10, $0.0e+00;
	vm3 =	vgt.f32 v14, $0.0e+00;
	vm4 =	vgt.f32 v15, $0.0e+00;
	s29 =	sand.u32 $0xC00, s26;
	s30 =	sshll.u32 s25, $0x2;
	s28 =	sand.u32 $0x1000, s28  }
0x68: {  	vm5 =	vgt.f32 v12, $0.0e+00;
	vm6 =	vgt.f32 v13, $0.0e+00;
	vm1 =	vgt.f32 v11, $0.0e+00;
	s28 =	sor.u32 s29, s28;
	s29 =	sand.u32 $0x380, s30  }
0x69: {  	v11 =	vor.u32 v1, v35;
	v12 =	vadd.s32 v3, v35;
	vm7 =	vgt.f32 v9, $0.0e+00;
	s28 =	sor.u32 s29, s28  }
0x6a: {  	v13 =	vor.u32 v1, v4;
	v35 =	vadd.s32 v3, v4;
	v36 =	vor.u32 v1, v5;
	v9 =	vld [tilespmem:s28+$0x2070]  }
0x6b: {  	v37 =	vadd.s32 v3, v5;
	v38 =	vor.u32 v1, v6;
	v39 =	vadd.s32 v3, v6;
	v4 =	vld [tilespmem:s28+$0x70]  }
0x6c: {  	v40 =	vor.u32 v1, v7;
	v41 =	vadd.s32 v3, v7;
	v33 =	vor.u32 v1, v8;
	v5 =	vld [tilespmem:s28+$0x2000]  }
0x6d: {  	v31 =	vadd.s32 v3, v8;
	v26 =	vor.u32 v1, v17;
	v23 =	vadd.s32 v3, v17;
	v6 =	vld [tilespmem:s28+$0x2010]  }
0x6e: {  	v15 =	vsel vm2, v21, v24;
	v18 =	vsel vm3, v18, v27;
	v19 =	vsel vm4, v19, v28;
	v7 =	vld [tilespmem:s28+$0x2020]  }
0x6f: {  	v20 =	vsel vm5, v20, v25;
	v21 =	vsel vm6, v22, v29;
	v8 =	vld [tilespmem:s28+$0x2030];
	v10 =	vshll.u32 v9, $0x1F  }
0x70: {  	v22 =	vsel vm1, v34, v30;
	v24 =	vsel vm7, v16, v32;
	v14 =	vld [tilespmem:s28+$0x2040];
	v10 =	vxor.u32 v4, v10  }
0x71: {  	v25 =	vshll.u32 v5, $0x1F;
	v16 =	vshll.u32 v5, $0xD;
	v27 =	vld [tilespmem:s28+$0x2050];
	v5 =	vmul.f32 $3.200000000e+01, v10  }
0x72: {  	v28 =	vshll.u32 v6, $0x1F;
	v4 =	vshll.u32 v6, $0xD;
	v17 =	vld [tilespmem:s28+$0x2060]  }
0x73: {  	v32 =	vadd.f32 $1.000000000e+00, v10;
	v29 =	vld [tilespmem:s28+$0x0];
	v30 =	vshll.u32 v7, $0x1F;
	v10 =	vsub.f32 $2.560000000e+02, v5  }
0x74: {  	v5 =	vshll.u32 v7, $0xD;
	v34 =	vld [tilespmem:s28+$0x10];
	v42 =	vshll.u32 v8, $0x1F;
	v6 =	vshll.u32 v8, $0xD  }
0x75: {  	v8 =	vmul.f32 $1.442695020e+00, v32;
	v43 =	vld [tilespmem:s28+$0x20];
	v44 =	vshll.u32 v14, $0x1F;
	v10 =	vmax.f32 v10, $0.0e+00  }
0x76: {  	v7 =	vshll.u32 v14, $0xD;
	v45 =	vld [tilespmem:s28+$0x30];
	v46 =	vshll.u32 v27, $0x1F;
	v10 =	vmin.f32 v10, $5.110000000e+02  }
0x77: {  	v47 =	vld [tilespmem:s28+$0x40];
	v48 =	vshll.u32 v17, $0x1F;
	v10 =	vtrunc.f32 v10;
	(erf) = vpow2.f32 v8  }
0x78: {  	v8 =	vshll.u32 v27, $0xD;
	v14 =	vxor.u32 v29, v25;
	v25 =	vld [tilespmem:s28+$0x50];
	v27 =	vcvt.f32.s32 v10  }
0x79: {  	v10 =	vadd.f32 $1.000000000e+00, v14;
	v29 =	vmul.f32 $3.200000000e+01, v14;
	v28 =	vxor.u32 v34, v28;
	v34 =	vld [tilespmem:s28+$0x60]  }
0x7a: {  	v9 =	vshll.u32 v9, $0xD;
	v30 =	vxor.u32 v43, v30;
	v27 =	vshll.u32 v27, $0x4;
	[tilespmem:v11+s16+$0x0] =	vst.idx.add.f32.msk $0xffff, v2  }
0x7b: {  	v14 =	vadd.f32 $1.000000000e+00, v28;
	v42 =	vxor.u32 v45, v42;
	v9 =	vadd.s32 v9, v27;
	[tilespmem:v12+s16+$0x0] =	vst.idx.add.f32.msk $0xffff, v15  }
0x7c: {  	v15 =	vadd.f32 $1.000000000e+00, v30;
	v27 =	vxor.u32 v47, v44;
	v43 =	vor.u32 v1, v9;
	[tilespmem:v13+s16+$0x0] =	vst.idx.add.f32.msk $0xffff, v2  }
0x7d: {  	v12 =	vadd.f32 $1.000000000e+00, v42;
	v44 =	vadd.s32 v3, v9;
	v25 =	vxor.u32 v25, v46;
	[tilespmem:v35+s16+$0x0] =	vst.idx.add.f32.msk $0xffff, v18  }
0x7e: {  	v13 =	vadd.f32 $1.000000000e+00, v27;
	v11 =	vadd.f32 $1.000000000e+00, v25;
	v18 =	vxor.u32 v34, v48;
	[tilespmem:v36+s16+$0x0] =	vst.idx.add.f32.msk $0xffff, v2  }
0x7f: {  	v28 =	vmul.f32 $3.200000000e+01, v28;
	v34 =	vadd.f32 $1.000000000e+00, v32;
	v9 =	vadd.f32 $1.000000000e+00, v18;
	[tilespmem:v37+s16+$0x0] =	vst.idx.add.f32.msk $0xffff, v19  }
0x80: {  	vm1 =	vgt.f32 v32, $0.0e+00;
	v19 =	vmul.f32 $3.200000000e+01, v30;
	v30 =	vmul.f32 $3.200000000e+01, v42;
	v32 =	vpop (erf);
	[tilespmem:v38+s16+$0x0] =	vst.idx.add.f32.msk $0xffff, v2  }
0x81: {  	v27 =	vmul.f32 $3.200000000e+01, v27;
	v25 =	vmul.f32 $3.200000000e+01, v25;
	v32 =	vsel vm1, v34, v32;
	[tilespmem:v43+s16+$0x0] =	vst.idx.add.f32.msk $0xffff, v2  }
0x82: {  	v29 =	vsub.f32 $2.560000000e+02, v29;
	v18 =	vmul.f32 $3.200000000e+01, v18;
	v34 =	vmul.f32 $1.442695020e+00, v10;
	[tilespmem:v44+s16+$0x0] =	vst.idx.add.f32.msk $0xffff, v32  }
0x83: {  	v28 =	vsub.f32 $2.560000000e+02, v28;
	v35 =	vmul.f32 $1.442695020e+00, v15;
	v32 =	vmul.f32 $1.442695020e+00, v14;
	[tilespmem:v39+s16+$0x0] =	vst.idx.add.f32.msk $0xffff, v20  }
0x84: {  	v36 =	vmul.f32 $1.442695020e+00, v13;
	v19 =	vsub.f32 $2.560000000e+02, v19;
	v20 =	vmul.f32 $1.442695020e+00, v12;
	[tilespmem:v40+s16+$0x0] =	vst.idx.add.f32.msk $0xffff, v2  }
0x85: {  	v37 =	vmul.f32 $1.442695020e+00, v11;
	v30 =	vsub.f32 $2.560000000e+02, v30;
	v38 =	vmul.f32 $1.442695020e+00, v9;
	[tilespmem:v41+s16+$0x0] =	vst.idx.add.f32.msk $0xffff, v21  }
0x86: {  	v25 =	vsub.f32 $2.560000000e+02, v25;
	v21 =	vsub.f32 $2.560000000e+02, v27;
	(erf) = vpow2.f32 v34;
	[tilespmem:v33+s16+$0x0] =	vst.idx.add.f32.msk $0xffff, v2  }
0x87: {  	v18 =	vsub.f32 $2.560000000e+02, v18;
	v27 =	vmax.f32 v29, $0.0e+00;
	(erf) = vpow2.f32 v32;
	[tilespmem:v31+s16+$0x0] =	vst.idx.add.f32.msk $0xffff, v22  }
0x88: {  	v19 =	vmax.f32 v19, $0.0e+00;
	v22 =	vmax.f32 v28, $0.0e+00;
	(erf) = vpow2.f32 v35;
	[tilespmem:v26+s16+$0x0] =	vst.idx.add.f32.msk $0xffff, v2  }
0x89: {  	v21 =	vmax.f32 v21, $0.0e+00;
	v26 =	vmax.f32 v30, $0.0e+00;
	(erf) = vpow2.f32 v20;
	[tilespmem:v23+s16+$0x0] =	vst.idx.add.f32.msk $0xffff, v24  }
0x8a: {  	v18 =	vmax.f32 v18, $0.0e+00;
	v20 =	vmax.f32 v25, $0.0e+00;
	(erf) = vpow2.f32 v36  }
0x8b: {  	v22 =	vmin.f32 v22, $5.110000000e+02;
	v23 =	vmin.f32 v27, $5.110000000e+02;
	(erf) = vpow2.f32 v37  }
0x8c: {  	v19 =	vmin.f32 v19, $5.110000000e+02;
	v24 =	vmin.f32 v26, $5.110000000e+02;
	(erf) = vpow2.f32 v38  }
0x8d: {  	v25 =	vmin.f32 v21, $5.110000000e+02;
	v26 =	vmin.f32 v18, $5.110000000e+02;
	v20 =	vmin.f32 v20, $5.110000000e+02  }
0x8e: {  	v21 =	vadd.f32 $1.000000000e+00, v10;
	v22 =	vtrunc.f32 v22;
	v23 =	vtrunc.f32 v23  }
0x8f: {  	v29 =	vtrunc.f32 v19;
	v18 =	vadd.f32 $1.000000000e+00, v14;
	v30 =	vtrunc.f32 v24;
	v24 =	vpop (erf)  }
0x90: {  	v19 =	vadd.f32 $1.000000000e+00, v15;
	v31 =	vtrunc.f32 v25;
	v32 =	vtrunc.f32 v20;
	v27 =	vpop (erf)  }
0x91: {  	v26 =	vtrunc.f32 v26;
	v23 =	vcvt.f32.s32 v23;
	v20 =	vadd.f32 $1.000000000e+00, v12;
	v28 =	vpop (erf)  }
0x92: {  	v34 =	vcvt.f32.s32 v29;
	v33 =	vcvt.f32.s32 v22;
	v22 =	vadd.f32 $1.000000000e+00, v13;
	v25 =	vpop (erf)  }
.Ltmp1:
0x93: {  	v31 =	vcvt.f32.s32 v31;
	v35 =	vshll.u32 v23, $0x4;
	v23 =	vcvt.f32.s32 v30;
	v29 =	vpop (erf);
	(pc) =	sbr.rel @p0 .LBB2_5-.Ltmp1, $4  }
0x94: {  	v39 =	vcvt.f32.s32 v26;
	v33 =	vshll.u32 v33, $0x4;
	v38 =	vcvt.f32.s32 v32;
	v30 =	vpop (erf)  }
0x95: {  	v37 =	vshll.u32 v34, $0x4;
	v26 =	vshll.u32 v31, $0x4;
	v36 =	vshll.u32 v23, $0x4;
	v32 =	vpop (erf)  }
0x96: {  	v34 =	vadd.f32 $1.000000000e+00, v11;
	v31 =	vshll.u32 v38, $0x4;
	v23 =	vshll.u32 v39, $0x4  }
0x97: {  	v17 =	vshll.u32 v17, $0xD;
	v35 =	vadd.s32 v16, v35;
	v16 =	vadd.f32 $1.000000000e+00, v9  }
0x98: {  	v38 =	vor.u32 v1, v35  }
0x99: {  	v4 =	vadd.s32 v4, v33;
	v55 =	vadd.s32 v3, v35  }
0x9a: {  	v5 =	vadd.s32 v5, v37;
	v56 =	vor.u32 v1, v4  }
0x9b: {  	vm1 =	vgt.f32 v10, $0.0e+00;
	v10 =	vor.u32 v1, v5  }
0x9c: {  	v6 =	vadd.s32 v6, v36;
	v4 =	vadd.s32 v3, v4  }
0x9d: {  	v21 =	vsel vm1, v21, v24;
	vm1 =	vgt.f32 v14, $0.0e+00;
	v14 =	vor.u32 v1, v6;
	[tilespmem:v38+s16+$0x0] =	vst.idx.add.f32.msk $0xffff, v2  }
0x9e: {  	v7 =	vadd.s32 v7, v26;
	v5 =	vadd.s32 v3, v5;
	[tilespmem:v55+s16+$0x0] =	vst.idx.add.f32.msk $0xffff, v21  }
0x9f: {  	v18 =	vsel vm1, v18, v27;
	vm1 =	vgt.f32 v15, $0.0e+00;
	v15 =	vor.u32 v1, v7;
	[tilespmem:v56+s16+$0x0] =	vst.idx.add.f32.msk $0xffff, v2  }
0xa0: {  	v6 =	vadd.s32 v3, v6;
	[tilespmem:v10+s16+$0x0] =	vst.idx.add.f32.msk $0xffff, v2  }
0xa1: {  	v8 =	vadd.s32 v8, v31;
	[tilespmem:v4+s16+$0x0] =	vst.idx.add.f32.msk $0xffff, v18;
	v4 =	vadd.s32 v3, v7  }
0xa2: {  	[tilespmem:v14+s16+$0x0] =	vst.idx.add.f32.msk $0xffff, v2;
	v7 =	vsel vm1, v19, v28;
	vm1 =	vgt.f32 v12, $0.0e+00;
	v12 =	vor.u32 v1, v8  }
0xa3: {  	v10 =	vadd.s32 v17, v23;
	[tilespmem:v5+s16+$0x0] =	vst.idx.add.f32.msk $0xffff, v7;
	v5 =	vadd.s32 v3, v8  }
0xa4: {  	[tilespmem:v15+s16+$0x0] =	vst.idx.add.f32.msk $0xffff, v2;
	v7 =	vsel vm1, v20, v25;
	vm1 =	vgt.f32 v13, $0.0e+00;
	v8 =	vor.u32 v1, v10  }
0xa5: {  	s25 =	sshll.u32 s24, $0x1;
	[tilespmem:v6+s16+$0x0] =	vst.idx.add.f32.msk $0xffff, v7;
	v6 =	vadd.s32 v3, v10;
	v7 =	vsel vm1, v22, v29  }
0xa6: {  	s25 =	smin.u32 s25, $0xD;
	vm1 =	vgt.f32 v11, $0.0e+00;
	[tilespmem:v4+s16+$0x0] =	vst.idx.add.f32.msk $0xffff, v7  }
0xa7: {  	s25 =	sshll.u32 s25, $0xD;
	v4 =	vsel vm1, v34, v30;
	[tilespmem:v12+s16+$0x0] =	vst.idx.add.f32.msk $0xffff, v2  }
0xa8: {  	s25 =	sadd.s32 s25, s8;
	vm1 =	vgt.f32 v9, $0.0e+00;
	[tilespmem:v5+s16+$0x0] =	vst.idx.add.f32.msk $0xffff, v4  }
0xa9: {  	s26 =	sshrl.u32 s25, $0x3;
	v4 =	vsel vm1, v16, v32;
	[tilespmem:v8+s16+$0x0] =	vst.idx.add.f32.msk $0xffff, v2  }
0xaa: {  	s25 =	simm.s32 $0x0;
	s28 =	sadd.s32 s1, s26;
	[tilespmem:v6+s16+$0x0] =	vst.idx.add.f32.msk $0xffff, v4  }
0xab: {  	[tilespmem:s25], [sflag:$0x1] =	stream.linear.gather [hbm4b:s28+s25], $0x2000, $0x38;
	[tilespmem:$0x10800] =	vst v63  }
0xac: {  	s26 =	sadd.s32 s2, s26  }
0xad: {  	[tilespmem:s11], [sflag:$0x2] =	stream.linear.gather [hbm4b:s26+s25], $0x2000, $0x38;
	[tilespmem:$0x10800] =	vst v63  }
0xae: {  	_ =	swait.ge [sflag:s17], $0x2000  }
0xaf: {  	[sflag:s17] =	ssyncset.done $0x0  }
0xb0: {  	s29 =	simm.s32 $0x0;
	s30 =	sand.u32 $0xC00, s25;
	[sflag:s17] =	ssyncadd.s32 $0xFFFFE000  }
0xb1: {  	s26 =	sand.u32 $0x1000, s29;
	s29 =	simm.s32 $0x0;
	_ =	swait.ge [sflag:s18], $0x2000  }
0xb2: {  	s26 =	sor.u32 s30, s26;
	s31 =	sand.u32 $0x380, s29;
	[sflag:s18] =	ssyncset.done $0x0  }
0xb3: {  	s26 =	sor.u32 s31, s26;
	[sflag:s18] =	ssyncadd.s32 $0xFFFFE000  }
0xb4: {  	v10 =	vld [tilespmem:s26+$0x6070]  }
0xb5: {  	v4 =	vld [tilespmem:s26+$0x4070]  }
0xb6: {  	v5 =	vld [tilespmem:s26+$0x6000]  }
0xb7: {  	v6 =	vld [tilespmem:s26+$0x6010]  }
0xb8: {  	v7 =	vld [tilespmem:s26+$0x6020]  }
0xb9: {  	v8 =	vld [tilespmem:s26+$0x6030]  }
0xba: {  	v11 =	vld [tilespmem:s26+$0x6040]  }
0xbb: {  	v13 =	vld [tilespmem:s26+$0x6050]  }
0xbc: {  	v17 =	vld [tilespmem:s26+$0x6060]  }
0xbd: {  	v18 =	vld [tilespmem:s26+$0x4000]  }
0xbe: {  	v22 =	vld [tilespmem:s26+$0x4020];
	v9 =	vshll.u32 v10, $0x1F  }
0xbf: {  	v24 =	vld [tilespmem:s26+$0x4030];
	v12 =	vshll.u32 v5, $0x1F;
	v16 =	vshll.u32 v5, $0xD;
	v15 =	vshll.u32 v6, $0x1F  }
0xc0: {  	v25 =	vld [tilespmem:s26+$0x4040];
	v19 =	vshll.u32 v7, $0x1F;
	v5 =	vshll.u32 v7, $0xD;
	v21 =	vshll.u32 v8, $0x1F  }
0xc1: {  	v29 =	vld [tilespmem:s26+$0x4060];
	v23 =	vshll.u32 v11, $0x1F;
	v7 =	vshll.u32 v11, $0xD;
	v11 =	vshll.u32 v13, $0x1F  }
0xc2: {  	v26 =	vshll.u32 v17, $0x1F;
	v10 =	vshll.u32 v10, $0xD;
	v9 =	vxor.u32 v4, v9  }
0xc3: {  	v17 =	vshll.u32 v17, $0xD;
	v4 =	vshll.u32 v6, $0xD;
	v14 =	vmul.f32 $3.200000000e+01, v9  }
0xc4: {  	v6 =	vshll.u32 v8, $0xD;
	v12 =	vxor.u32 v18, v12;
	v18 =	vld [tilespmem:s26+$0x4050];
	v20 =	vadd.f32 $1.000000000e+00, v9  }
0xc5: {  	v19 =	vxor.u32 v22, v19;
	v21 =	vxor.u32 v24, v21;
	v9 =	vsub.f32 $2.560000000e+02, v14  }
0xc6: {  	v22 =	vxor.u32 v25, v23;
	v24 =	vxor.u32 v29, v26;
	v14 =	vld [tilespmem:s26+$0x4010];
	v8 =	vmul.f32 $1.442695020e+00, v20  }
0xc7: {  	v27 =	vmul.f32 $3.200000000e+01, v12;
	v26 =	vadd.f32 $1.000000000e+00, v20;
	v9 =	vmax.f32 v9, $0.0e+00  }
0xc8: {  	vm1 =	vgt.f32 v20, $0.0e+00;
	(erf) = vpow2.f32 v8;
	v9 =	vmin.f32 v9, $5.110000000e+02  }
0xc9: {  	v8 =	vshll.u32 v13, $0xD;
	v18 =	vxor.u32 v18, v11;
	v9 =	vtrunc.f32 v9  }
0xca: {  	v11 =	vadd.f32 $1.000000000e+00, v18;
	v18 =	vmul.f32 $3.200000000e+01, v18;
	v13 =	vcvt.f32.s32 v9  }
0xcb: {  	v9 =	vadd.f32 $1.000000000e+00, v12;
	v28 =	vxor.u32 v14, v15;
	v15 =	vadd.f32 $1.000000000e+00, v19  }
0xcc: {  	v19 =	vmul.f32 $3.200000000e+01, v19;
	v31 =	vmul.f32 $1.442695020e+00, v11;
	v18 =	vsub.f32 $2.560000000e+02, v18  }
0xcd: {  	v34 =	vadd.f32 $1.000000000e+00, v11;
	v14 =	vadd.f32 $1.000000000e+00, v28;
	v25 =	vmul.f32 $3.200000000e+01, v28  }
0xce: {  	v12 =	vshll.u32 v13, $0x4;
	v13 =	vadd.f32 $1.000000000e+00, v22;
	v22 =	vmul.f32 $3.200000000e+01, v22  }
0xcf: {  	v28 =	vmul.f32 $1.442695020e+00, v15;
	v19 =	vsub.f32 $2.560000000e+02, v19;
	v18 =	vmax.f32 v18, $0.0e+00  }
0xd0: {  	v10 =	vadd.s32 v10, v12;
	v12 =	vadd.f32 $1.000000000e+00, v21;
	v21 =	vmul.f32 $3.200000000e+01, v21  }
0xd1: {  	v25 =	vsub.f32 $2.560000000e+02, v25;
	v23 =	vor.u32 v1, v10;
	v57 =	vadd.s32 v3, v10  }
0xd2: {  	v10 =	vadd.f32 $1.000000000e+00, v24;
	v24 =	vmul.f32 $3.200000000e+01, v24;
	v30 =	vmul.f32 $1.442695020e+00, v13  }
0xd3: {  	v22 =	vsub.f32 $2.560000000e+02, v22;
	v19 =	vmax.f32 v19, $0.0e+00;
	v29 =	vmul.f32 $1.442695020e+00, v12;
	v20 =	vpop (erf)  }
0xd4: {  	v21 =	vsub.f32 $2.560000000e+02, v21;
	v58 =	vsel vm1, v26, v20;
	v20 =	vmul.f32 $1.442695020e+00, v9  }
0xd5: {  	v25 =	vmax.f32 v25, $0.0e+00;
	v26 =	vsub.f32 $2.560000000e+02, v27;
	v27 =	vmul.f32 $1.442695020e+00, v14  }
0xd6: {  	v19 =	vmin.f32 v19, $5.110000000e+02;
	v59 =	vmul.f32 $1.442695020e+00, v10;
	(erf) = vpow2.f32 v20  }
0xd7: {  	v24 =	vsub.f32 $2.560000000e+02, v24;
	v22 =	vmax.f32 v22, $0.0e+00;
	(erf) = vpow2.f32 v27  }
0xd8: {  	v25 =	vmin.f32 v25, $5.110000000e+02;
	v21 =	vmax.f32 v21, $0.0e+00;
	(erf) = vpow2.f32 v28  }
0xd9: {  	v22 =	vmin.f32 v22, $5.110000000e+02;
	v24 =	vmax.f32 v24, $0.0e+00;
	(erf) = vpow2.f32 v29  }
0xda: {  	v20 =	vmax.f32 v26, $0.0e+00;
	v26 =	vmin.f32 v21, $5.110000000e+02;
	(erf) = vpow2.f32 v30  }
0xdb: {  	v24 =	vmin.f32 v24, $5.110000000e+02;
	v26 =	vtrunc.f32 v26;
	(erf) = vpow2.f32 v31  }
0xdc: {  	v20 =	vmin.f32 v20, $5.110000000e+02;
	v24 =	vtrunc.f32 v24;
	(erf) = vpow2.f32 v59  }
0xdd: {  	v27 =	vmin.f32 v18, $5.110000000e+02;
	v20 =	vtrunc.f32 v20;
	v28 =	vtrunc.f32 v25  }
0xde: {  	v21 =	vadd.f32 $1.000000000e+00, v9;
	v39 =	vcvt.f32.s32 v26;
	v41 =	vcvt.f32.s32 v24  }
0xdf: {  	v18 =	vadd.f32 $1.000000000e+00, v14;
	v29 =	vtrunc.f32 v19;
	v60 =	vcvt.f32.s32 v20;
	v25 =	vpop (erf)  }
0xe0: {  	v19 =	vadd.f32 $1.000000000e+00, v15;
	v61 =	vcvt.f32.s32 v28;
	v31 =	vtrunc.f32 v27;
	v27 =	vpop (erf)  }
0xe1: {  	v20 =	vadd.f32 $1.000000000e+00, v12;
	v30 =	vtrunc.f32 v22;
	v62 =	vcvt.f32.s32 v29;
	v28 =	vpop (erf)  }
0xe2: {  	[tilespmem:v23+s16+$0x0] =	vst.idx.add.f32.msk $0xffff, v2;
	v22 =	vadd.f32 $1.000000000e+00, v13;
	v36 =	vshll.u32 v39, $0x4;
	v23 =	vshll.u32 v41, $0x4;
	v26 =	vpop (erf)  }
0xe3: {  	v63 =	vshll.u32 v60, $0x4;
	v30 =	vcvt.f32.s32 v30;
	v40 =	vcvt.f32.s32 v31;
	v29 =	vpop (erf)  }
0xe4: {  	v32 =	vshll.u32 v61, $0x4;
	v37 =	vshll.u32 v62, $0x4;
	v35 =	vadd.s32 v16, v63;
	v31 =	vpop (erf)  }
0xe5: {  	s26 =	simm.s32 $0x0;
	[tilespmem:v57+s16+$0x0] =	vst.idx.add.f32.msk $0xffff, v58;
	v16 =	vadd.f32 $1.000000000e+00, v10;
	v24 =	vshll.u32 v30, $0x4;
	v30 =	vshll.u32 v40, $0x4;
	v33 =	vpop (erf)  }
.LBB2_7:
0xe6: {  	s26 =	sadd.s32 $0x8, s26;
	v4 =	vadd.s32 v4, v32;
	v5 =	vadd.s32 v5, v37;
	v6 =	vadd.s32 v6, v36  }
0xe7: {  	v7 =	vadd.s32 v7, v24;
	v8 =	vadd.s32 v8, v30;
	v17 =	vadd.s32 v17, v23;
	s25 =	sadd.s32 $0x400, s25;
	s28 =	sshll.u32 s26, $0x4;
	p0 =	slt.u32 s26, $0x1F8  }
0xe8: {  	vm2 =	vgt.f32 v9, $0.0e+00;
	vm3 =	vgt.f32 v14, $0.0e+00;
	vm4 =	vgt.f32 v15, $0.0e+00;
	s29 =	sand.u32 $0xC00, s25;
	s30 =	sshll.u32 s26, $0x2;
	s28 =	sand.u32 $0x1000, s28  }
0xe9: {  	vm5 =	vgt.f32 v12, $0.0e+00;
	vm6 =	vgt.f32 v13, $0.0e+00;
	vm1 =	vgt.f32 v11, $0.0e+00;
	s28 =	sor.u32 s29, s28;
	s29 =	sand.u32 $0x380, s30  }
0xea: {  	v11 =	vor.u32 v1, v35;
	v12 =	vadd.s32 v3, v35;
	vm7 =	vgt.f32 v10, $0.0e+00;
	s28 =	sor.u32 s29, s28  }
0xeb: {  	v13 =	vor.u32 v1, v4;
	v35 =	vadd.s32 v3, v4;
	v36 =	vor.u32 v1, v5;
	v10 =	vld [tilespmem:s28+$0x6070]  }
0xec: {  	v37 =	vadd.s32 v3, v5;
	v38 =	vor.u32 v1, v6;
	v39 =	vadd.s32 v3, v6;
	v4 =	vld [tilespmem:s28+$0x4070]  }
0xed: {  	v40 =	vor.u32 v1, v7;
	v41 =	vadd.s32 v3, v7;
	v32 =	vor.u32 v1, v8;
	v5 =	vld [tilespmem:s28+$0x6000]  }
0xee: {  	v30 =	vadd.s32 v3, v8;
	v24 =	vor.u32 v1, v17;
	v23 =	vadd.s32 v3, v17;
	v6 =	vld [tilespmem:s28+$0x6010]  }
0xef: {  	v15 =	vsel vm2, v21, v25;
	v18 =	vsel vm3, v18, v27;
	v19 =	vsel vm4, v19, v28;
	v7 =	vld [tilespmem:s28+$0x6020]  }
0xf0: {  	v20 =	vsel vm5, v20, v26;
	v21 =	vsel vm6, v22, v29;
	v8 =	vld [tilespmem:s28+$0x6030];
	v9 =	vshll.u32 v10, $0x1F  }
0xf1: {  	v22 =	vsel vm1, v34, v31;
	v25 =	vsel vm7, v16, v33;
	v14 =	vld [tilespmem:s28+$0x6040];
	v9 =	vxor.u32 v4, v9  }
0xf2: {  	v26 =	vshll.u32 v5, $0x1F;
	v16 =	vshll.u32 v5, $0xD;
	v27 =	vld [tilespmem:s28+$0x6050];
	v5 =	vmul.f32 $3.200000000e+01, v9  }
0xf3: {  	v28 =	vshll.u32 v6, $0x1F;
	v4 =	vshll.u32 v6, $0xD;
	v17 =	vld [tilespmem:s28+$0x6060]  }
0xf4: {  	v33 =	vadd.f32 $1.000000000e+00, v9;
	v29 =	vld [tilespmem:s28+$0x4000];
	v31 =	vshll.u32 v7, $0x1F;
	v9 =	vsub.f32 $2.560000000e+02, v5  }
0xf5: {  	v5 =	vshll.u32 v7, $0xD;
	v34 =	vld [tilespmem:s28+$0x4010];
	v42 =	vshll.u32 v8, $0x1F;
	v6 =	vshll.u32 v8, $0xD  }
0xf6: {  	v8 =	vmul.f32 $1.442695020e+00, v33;
	v43 =	vld [tilespmem:s28+$0x4020];
	v44 =	vshll.u32 v14, $0x1F;
	v9 =	vmax.f32 v9, $0.0e+00  }
0xf7: {  	v7 =	vshll.u32 v14, $0xD;
	v45 =	vld [tilespmem:s28+$0x4030];
	v46 =	vshll.u32 v27, $0x1F;
	v9 =	vmin.f32 v9, $5.110000000e+02  }
0xf8: {  	v47 =	vld [tilespmem:s28+$0x4040];
	v48 =	vshll.u32 v17, $0x1F;
	v9 =	vtrunc.f32 v9;
	(erf) = vpow2.f32 v8  }
0xf9: {  	v8 =	vshll.u32 v27, $0xD;
	v14 =	vxor.u32 v29, v26;
	v26 =	vld [tilespmem:s28+$0x4050];
	v27 =	vcvt.f32.s32 v9  }
0xfa: {  	v9 =	vadd.f32 $1.000000000e+00, v14;
	v29 =	vmul.f32 $3.200000000e+01, v14;
	v28 =	vxor.u32 v34, v28;
	v34 =	vld [tilespmem:s28+$0x4060]  }
0xfb: {  	v10 =	vshll.u32 v10, $0xD;
	v31 =	vxor.u32 v43, v31;
	v27 =	vshll.u32 v27, $0x4;
	[tilespmem:v11+s16+$0x0] =	vst.idx.add.f32.msk $0xffff, v2  }
0xfc: {  	v14 =	vadd.f32 $1.000000000e+00, v28;
	v42 =	vxor.u32 v45, v42;
	v10 =	vadd.s32 v10, v27;
	[tilespmem:v12+s16+$0x0] =	vst.idx.add.f32.msk $0xffff, v15  }
0xfd: {  	v15 =	vadd.f32 $1.000000000e+00, v31;
	v27 =	vxor.u32 v47, v44;
	v43 =	vor.u32 v1, v10;
	[tilespmem:v13+s16+$0x0] =	vst.idx.add.f32.msk $0xffff, v2  }
0xfe: {  	v12 =	vadd.f32 $1.000000000e+00, v42;
	v44 =	vadd.s32 v3, v10;
	v26 =	vxor.u32 v26, v46;
	[tilespmem:v35+s16+$0x0] =	vst.idx.add.f32.msk $0xffff, v18  }
0xff: {  	v13 =	vadd.f32 $1.000000000e+00, v27;
	v11 =	vadd.f32 $1.000000000e+00, v26;
	v18 =	vxor.u32 v34, v48;
	[tilespmem:v36+s16+$0x0] =	vst.idx.add.f32.msk $0xffff, v2  }
0x100: {  	v28 =	vmul.f32 $3.200000000e+01, v28;
	v34 =	vadd.f32 $1.000000000e+00, v33;
	v10 =	vadd.f32 $1.000000000e+00, v18;
	[tilespmem:v37+s16+$0x0] =	vst.idx.add.f32.msk $0xffff, v19  }
0x101: {  	vm1 =	vgt.f32 v33, $0.0e+00;
	v19 =	vmul.f32 $3.200000000e+01, v31;
	v31 =	vmul.f32 $3.200000000e+01, v42;
	v33 =	vpop (erf);
	[tilespmem:v38+s16+$0x0] =	vst.idx.add.f32.msk $0xffff, v2  }
0x102: {  	v27 =	vmul.f32 $3.200000000e+01, v27;
	v26 =	vmul.f32 $3.200000000e+01, v26;
	v33 =	vsel vm1, v34, v33;
	[tilespmem:v43+s16+$0x0] =	vst.idx.add.f32.msk $0xffff, v2  }
0x103: {  	v29 =	vsub.f32 $2.560000000e+02, v29;
	v18 =	vmul.f32 $3.200000000e+01, v18;
	v34 =	vmul.f32 $1.442695020e+00, v9;
	[tilespmem:v44+s16+$0x0] =	vst.idx.add.f32.msk $0xffff, v33  }
0x104: {  	v28 =	vsub.f32 $2.560000000e+02, v28;
	v35 =	vmul.f32 $1.442695020e+00, v15;
	v33 =	vmul.f32 $1.442695020e+00, v14;
	[tilespmem:v39+s16+$0x0] =	vst.idx.add.f32.msk $0xffff, v20  }
0x105: {  	v36 =	vmul.f32 $1.442695020e+00, v13;
	v19 =	vsub.f32 $2.560000000e+02, v19;
	v20 =	vmul.f32 $1.442695020e+00, v12;
	[tilespmem:v40+s16+$0x0] =	vst.idx.add.f32.msk $0xffff, v2  }
0x106: {  	v37 =	vmul.f32 $1.442695020e+00, v11;
	v31 =	vsub.f32 $2.560000000e+02, v31;
	v38 =	vmul.f32 $1.442695020e+00, v10;
	[tilespmem:v41+s16+$0x0] =	vst.idx.add.f32.msk $0xffff, v21  }
0x107: {  	v26 =	vsub.f32 $2.560000000e+02, v26;
	v21 =	vsub.f32 $2.560000000e+02, v27;
	(erf) = vpow2.f32 v34;
	[tilespmem:v32+s16+$0x0] =	vst.idx.add.f32.msk $0xffff, v2  }
0x108: {  	v18 =	vsub.f32 $2.560000000e+02, v18;
	v27 =	vmax.f32 v29, $0.0e+00;
	(erf) = vpow2.f32 v33;
	[tilespmem:v30+s16+$0x0] =	vst.idx.add.f32.msk $0xffff, v22  }
0x109: {  	v19 =	vmax.f32 v19, $0.0e+00;
	v22 =	vmax.f32 v28, $0.0e+00;
	(erf) = vpow2.f32 v35;
	[tilespmem:v24+s16+$0x0] =	vst.idx.add.f32.msk $0xffff, v2  }
0x10a: {  	v21 =	vmax.f32 v21, $0.0e+00;
	v24 =	vmax.f32 v31, $0.0e+00;
	(erf) = vpow2.f32 v20;
	[tilespmem:v23+s16+$0x0] =	vst.idx.add.f32.msk $0xffff, v25  }
0x10b: {  	v18 =	vmax.f32 v18, $0.0e+00;
	v20 =	vmax.f32 v26, $0.0e+00;
	(erf) = vpow2.f32 v36  }
0x10c: {  	v22 =	vmin.f32 v22, $5.110000000e+02;
	v23 =	vmin.f32 v27, $5.110000000e+02;
	(erf) = vpow2.f32 v37  }
0x10d: {  	v19 =	vmin.f32 v19, $5.110000000e+02;
	v24 =	vmin.f32 v24, $5.110000000e+02;
	(erf) = vpow2.f32 v38  }
0x10e: {  	v28 =	vmin.f32 v18, $5.110000000e+02;
	v26 =	vmin.f32 v21, $5.110000000e+02;
	v20 =	vmin.f32 v20, $5.110000000e+02  }
0x10f: {  	v21 =	vadd.f32 $1.000000000e+00, v9;
	v22 =	vtrunc.f32 v22;
	v23 =	vtrunc.f32 v23  }
0x110: {  	v29 =	vtrunc.f32 v19;
	v18 =	vadd.f32 $1.000000000e+00, v14;
	v24 =	vtrunc.f32 v24;
	v25 =	vpop (erf)  }
0x111: {  	v19 =	vadd.f32 $1.000000000e+00, v15;
	v30 =	vtrunc.f32 v26;
	v31 =	vtrunc.f32 v20;
	v27 =	vpop (erf)  }
0x112: {  	v33 =	vtrunc.f32 v28;
	v23 =	vcvt.f32.s32 v23;
	v20 =	vadd.f32 $1.000000000e+00, v12;
	v28 =	vpop (erf)  }
0x113: {  	v34 =	vcvt.f32.s32 v29;
	v32 =	vcvt.f32.s32 v22;
	v22 =	vadd.f32 $1.000000000e+00, v13;
	v26 =	vpop (erf)  }
.Ltmp2:
0x114: {  	v35 =	vshll.u32 v23, $0x4;
	v23 =	vcvt.f32.s32 v24;
	v24 =	vcvt.f32.s32 v30;
	v29 =	vpop (erf);
	(pc) =	sbr.rel @p0 .LBB2_7-.Ltmp2, $4  }
0x115: {  	v32 =	vshll.u32 v32, $0x4;
	v38 =	vcvt.f32.s32 v33;
	v30 =	vcvt.f32.s32 v31;
	v31 =	vpop (erf)  }
0x116: {  	v37 =	vshll.u32 v34, $0x4;
	v36 =	vshll.u32 v23, $0x4;
	v24 =	vshll.u32 v24, $0x4;
	v33 =	vpop (erf)  }
0x117: {  	v34 =	vadd.f32 $1.000000000e+00, v11;
	v30 =	vshll.u32 v30, $0x4;
	v23 =	vshll.u32 v38, $0x4  }
0x118: {  	v17 =	vshll.u32 v17, $0xD;
	v35 =	vadd.s32 v16, v35;
	v16 =	vadd.f32 $1.000000000e+00, v10  }
0x119: {  	v38 =	vor.u32 v1, v35  }
0x11a: {  	v4 =	vadd.s32 v4, v32;
	v52 =	vadd.s32 v3, v35  }
0x11b: {  	v5 =	vadd.s32 v5, v37;
	v53 =	vor.u32 v1, v4  }
0x11c: {  	v6 =	vadd.s32 v6, v36;
	v54 =	vor.u32 v1, v5  }
0x11d: {  	vm1 =	vgt.f32 v9, $0.0e+00;
	v7 =	vadd.s32 v7, v24;
	v55 =	vor.u32 v1, v6  }
0x11e: {  	v21 =	vsel vm1, v21, v25;
	v56 =	vor.u32 v1, v7;
	[tilespmem:v38+s16+$0x0] =	vst.idx.add.f32.msk $0xffff, v2  }
0x11f: {  	v4 =	vadd.s32 v3, v4;
	[tilespmem:v52+s16+$0x0] =	vst.idx.add.f32.msk $0xffff, v21  }
0x120: {  	v8 =	vadd.s32 v8, v30;
	v5 =	vadd.s32 v3, v5;
	[tilespmem:v53+s16+$0x0] =	vst.idx.add.f32.msk $0xffff, v2  }
0x121: {  	v58 =	vadd.s32 v17, v23;
	v59 =	vor.u32 v1, v8;
	[tilespmem:v54+s16+$0x0] =	vst.idx.add.f32.msk $0xffff, v2  }
0x122: {  	vm1 =	vgt.f32 v14, $0.0e+00;
	v61 =	vor.u32 v1, v58;
	[tilespmem:v55+s16+$0x0] =	vst.idx.add.f32.msk $0xffff, v2  }
0x123: {  	v6 =	vadd.s32 v3, v6;
	v18 =	vsel vm1, v18, v27;
	vm1 =	vgt.f32 v15, $0.0e+00;
	[tilespmem:v56+s16+$0x0] =	vst.idx.add.f32.msk $0xffff, v2  }
0x124: {  	v57 =	vsel vm1, v19, v28;
	[tilespmem:v4+s16+$0x0] =	vst.idx.add.f32.msk $0xffff, v18;
	v4 =	vadd.s32 v3, v7  }
0x125: {  	s24 =	sadd.s32 $0x1, s24;
	[tilespmem:v5+s16+$0x0] =	vst.idx.add.f32.msk $0xffff, v57;
	v5 =	vadd.s32 v3, v8  }
0x126: {  	v62 =	vadd.s32 v3, v58;
	p0 =	sne.s32 s24, $0x8;
	vm1 =	vgt.f32 v12, $0.0e+00;
	[tilespmem:v59+s16+$0x0] =	vst.idx.add.f32.msk $0xffff, v2  }
.Ltmp3:
0x127: {  	v60 =	vsel vm1, v20, v26;
	vm1 =	vgt.f32 v13, $0.0e+00;
	[tilespmem:v61+s16+$0x0] =	vst.idx.add.f32.msk $0xffff, v2;
	(pc) =	sbr.rel @p0 .LBB2_4-.Ltmp3, $4  }
0x128: {  	v63 =	vsel vm1, v22, v29;
	vm1 =	vgt.f32 v11, $0.0e+00;
	[tilespmem:v6+s16+$0x0] =	vst.idx.add.f32.msk $0xffff, v60  }
0x129: {  	[tilespmem:v4+s16+$0x0] =	vst.idx.add.f32.msk $0xffff, v63;
	v4 =	vsel vm1, v34, v31;
	vm1 =	vgt.f32 v10, $0.0e+00  }
0x12a: {  	[tilespmem:v5+s16+$0x0] =	vst.idx.add.f32.msk $0xffff, v4;
	v4 =	vsel vm1, v16, v33  }
0x12b: {  	[tilespmem:v62+s16+$0x0] =	vst.idx.add.f32.msk $0xffff, v4  }
0x12c: {  	_ =	swait.ge [sflag:s14], $0x2000  }
0x12d: {  	[sflag:s14] =	ssyncset.done $0x0  }
0x12e: {  	[sflag:s14] =	ssyncadd.s32 $0xFFFFE000  }
0x12f: {  	_ =	swait.ge [sflag:s15], $0x2000  }
0x130: {  	[sflag:s15] =	ssyncset.done $0x0  }
0x131: {  	s24 =	simm.s32 $0x8040;
	[sflag:s15] =	ssyncadd.s32 $0xFFFFE000  }
0x132: {  	v4 =	vld [tilespmem:s24+$0xFFFFFFC0]  }
0x133: {  	v5 =	vld [tilespmem:s24+$0x30]  }
0x134: {  	v6 =	vld [tilespmem:s24+$0x0];
	_ =	sdelay $0x2  }
0x135: {  	(xrf2) =	vadd.scan.msk.f32 $0xffff, v4  }
0x136: {  	(xrf2) =	vadd.scan.msk.f32 $0xffff, v5;
	v5 =	vld [tilespmem:s24+$0xFFFFFFF0]  }
0x137: {  	s23 =	simm.s32 $0x0;
	(xrf2) =	vadd.scan.msk.f32 $0xffff, v6  }
0x138: {  	v4 =	vmov s23  }
0x139: {  	v7 =	vld [tilespmem:s24+$0x10];
	v4 =	vand.u32 $0xFFFFFFF8, v4  }
0x13a: {  	v4 =	vbroadcast v4, $0x0  }
0x13b: {  	s25 =	simm.s32 $0x7;
	(xrf2) =	vadd.scan.msk.f32 $0xffff, v5  }
0x13c: {  	v9 =	vmov s25;
	v8 =	vld [tilespmem:s24+$0x20];
	_ =	sdelay $0x1  }
0x13d: {  	s31 =	simm.s32 $0x6;
	(xrf2) =	vadd.scan.msk.f32 $0xffff, v7  }
0x13e: {  	v10 =	vmov s31;
	v6 =	vld [tilespmem:s24+$0xFFFFFFE0];
	v5, _, _ =	vpop (xrf2)  }
0x13f: {  	v10 =	vand.u32 $0xFFFFFFFE, v10;
	[tilespmem:v4+s19+$0x0] =	vst.idx.msk vm0, v5;
	v7, _, _ =	vpop (xrf2)  }
0x140: {  	s26 =	simm.s32 $0x4;
	s25 =	simm.s32 $0x8;
	(xrf2) =	vadd.scan.msk.f32 $0xffff, v8;
	v5 =	vld [tilespmem:s24+$0xFFFFFFD0];
	v4 =	vbroadcast v10, $0x0;
	[tilespmem:v9+s19+$0x0] =	vst.idx.msk vm0, v7;
	v7, _, _ =	vpop (xrf2)  }
.LBB2_10:
0x141: {  	p0 =	slt.u32 s25, $0x7F8  }
0x142: {  	v8 =	vmov s25;
	v9 =	vmov s26;
	s24 =	sadd.s32 $0x80, s24;
	s26 =	smov.u32 s25;
	s25 =	sadd.s32 $0x8, s25  }
0x143: {  	s28 =	sadd.s32 $0x5, s23;
	v10 =	vld [tilespmem:s24+$0xFFFFFFC0];
	v8 =	vand.u32 $0xFFFFFFF8, v8;
	v9 =	vand.u32 $0xFFFFFFFC, v9;
	(xrf2) =	vadd.scan.msk.f32 $0xffff, v6  }
0x144: {  	s29 =	sadd.s32 $0x3, s23;
	v6 =	vmov s28;
	v11 =	vld [tilespmem:s24+$0x30];
	v9 =	vbroadcast v9, $0x0;
	v12, _, _ =	vpop (xrf2)  }
0x145: {  	v14 =	vmov s29;
	v6 =	vand.u32 $0xFFFFFFFD, v6;
	v13 =	vld [tilespmem:s24+$0x20]  }
0x146: {  	v14 =	vand.u32 $0xFFFFFFFB, v14;
	v16 =	vbroadcast v6, $0x0;
	v15 =	vld [tilespmem:s24+$0x10];
	(xrf2) =	vadd.scan.msk.f32 $0xffff, v5  }
0x147: {  	s28 =	sadd.s32 $0x1, s23;
	s29 =	sadd.s32 $0x2, s23;
	s23 =	smov.u32 s26;
	v14 =	vbroadcast v14, $0x0;
	v17 =	vld [tilespmem:s24+$0x0];
	v18, _, _ =	vpop (xrf2)  }
0x148: {  	v20 =	vmov s29;
	v5 =	vmov s28;
	v19 =	vld [tilespmem:s24+$0xFFFFFFF0]  }
0x149: {  	v20 =	vand.u32 $0xFFFFFFFA, v20;
	v6 =	vld [tilespmem:s24+$0xFFFFFFE0];
	(xrf2) =	vadd.scan.msk.f32 $0xffff, v10;
	v10 =	vand.u32 $0xFFFFFFF9, v5  }
0x14a: {  	v20 =	vbroadcast v20, $0x0;
	v5 =	vld [tilespmem:s24+$0xFFFFFFD0];
	v10 =	vbroadcast v10, $0x0;
	[tilespmem:v9+s19+$0x0] =	vst.idx.msk vm0, v7;
	v7, _, _ =	vpop (xrf2)  }
0x14b: {  	[tilespmem:v4+s19+$0x0] =	vst.idx.msk vm0, v7  }
0x14c: {  	s26 =	sadd.s32 $0x6, s23;
	(xrf2) =	vadd.scan.msk.f32 $0xffff, v11;
	[tilespmem:v16+s19+$0x0] =	vst.idx.msk vm0, v18  }
0x14d: {  	v4 =	vmov s26;
	[tilespmem:v14+s19+$0x0] =	vst.idx.msk vm0, v12;
	v7, _, _ =	vpop (xrf2)  }
0x14e: {  	v4 =	vand.u32 $0xFFFFFFFE, v4  }
0x14f: {  	v4 =	vbroadcast v4, $0x0;
	(xrf2) =	vadd.scan.msk.f32 $0xffff, v17  }
0x150: {  	v8 =	vbroadcast v8, $0x0;
	[tilespmem:v20+s19+$0x0] =	vst.idx.msk vm0, v7;
	v7, _, _ =	vpop (xrf2)  }
0x151: {  	s26 =	sadd.s32 $0x7, s23;
	[tilespmem:v10+s19+$0x0] =	vst.idx.msk vm0, v7  }
0x152: {  	v7 =	vmov s26;
	(xrf2) =	vadd.scan.msk.f32 $0xffff, v19  }
0x153: {  	v9, _, _ =	vpop (xrf2);
	_ =	sdelay $0x1  }
.Ltmp4:
0x154: {  	(xrf2) =	vadd.scan.msk.f32 $0xffff, v15;
	(pc) =	sbr.rel @p0 .LBB2_10-.Ltmp4, $4  }
0x155: {  	[tilespmem:v8+s19+$0x0] =	vst.idx.msk vm0, v9;
	v8, _, _ =	vpop (xrf2)  }
0x156: {  	[tilespmem:v7+s19+$0x0] =	vst.idx.msk vm0, v8  }
0x157: {  	(xrf2) =	vadd.scan.msk.f32 $0xffff, v13  }
0x158: {  	s26 =	sadd.s32 $0x4, s23;
	v7, _, _ =	vpop (xrf2)  }
0x159: {  	v8 =	vmov s26  }
0x15a: {  	s24 =	sadd.s32 $0x5, s23;
	(xrf2) =	vadd.scan.msk.f32 $0xffff, v6;
	v8 =	vand.u32 $0xFFFFFFFC, v8  }
0x15b: {  	s25 =	sadd.s32 $0x3, s23;
	v62 =	vmov s24;
	(xrf2) =	vadd.scan.msk.f32 $0xffff, v5;
	v61 =	vbroadcast v8, $0x0  }
0x15c: {  	s30 =	sadd.s32 $0x2, s23;
	v5 =	vmov s25;
	v8 =	vand.u32 $0xFFFFFFFD, v62  }
0x15d: {  	s31 =	sadd.s32 $0x1, s23;
	v9 =	vmov s30;
	v5 =	vand.u32 $0xFFFFFFFB, v5;
	v8 =	vbroadcast v8, $0x0  }
0x15e: {  	v10 =	vmov s31;
	v9 =	vand.u32 $0xFFFFFFFA, v9;
	v5 =	vbroadcast v5, $0x0  }
0x15f: {  	v11, _, _ =	vpop (xrf2);
	v10 =	vand.u32 $0xFFFFFFF9, v10;
	v9 =	vbroadcast v9, $0x0  }
0x160: {  	v10 =	vbroadcast v10, $0x0;
	v12, _, _ =	vpop (xrf2)  }
0x161: {  	[tilespmem:v61+s19+$0x0] =	vst.idx.msk vm0, v7;
	v63, _, _ =	vpop (xrf2)  }
0x162: {  	[tilespmem:v4+s19+$0x0] =	vst.idx.msk vm0, v63  }
0x163: {  	[tilespmem:v8+s19+$0x0] =	vst.idx.msk vm0, v12  }
0x164: {  	s3 =	sadd.s32 $0x1, s3;
	[tilespmem:v5+s19+$0x0] =	vst.idx.msk vm0, v11;
	v4, _, _ =	vpop (xrf2)  }
0x165: {  	p0 =	sne.s32 s3, s10;
	[tilespmem:v9+s19+$0x0] =	vst.idx.msk vm0, v4;
	v4, _, _ =	vpop (xrf2)  }
.Ltmp5:
0x166: {  	[tilespmem:v10+s19+$0x0] =	vst.idx.msk vm0, v4;
	(pc) =	sbr.rel @p0 .LBB2_1-.Ltmp5, $4  }
0x167: {  	[hbm4b:s9+s20] =	stream.strided.scatter [tilespmem:s19], [sflag:$0x5], $0x800, s21, s20, $0x38;
	[tilespmem:$0x10800] =	vst v63  }
0x168: {  	_ =	swait.ge [sflag:s22], $0x800  }
0x169: {  	[sflag:s22] =	ssyncset.done $0x0  }
0x16a: {  	[sflag:s22] =	ssyncadd.s32 $0xFFFFF800  }
0x16b: {  	_ =	sfence.sel $0x180000  }
0x16c: {  	[bflag:$0x0] =	sbarrier.arrive $0xFFFF  }
0x16d: {  	p0 =	sne.s32 s4, $0x0;
	_ =	strace $0x90000047  }
0x16e: {  	s0 =	sadd.s32 @!p0 $0x100000, s0;
	[bflag:$0x2] =	sbarrier.arrive $0xFFFF  }
0x16f: {  	[sflag:s0] =	ssyncadd.tile.s32 @!p0 $0x1;
	_ =	shalt  }
.Lfunc_end2:
_tile_overlayer_lowered:
.L_overlay_start_2:
0x170: {  	(tag) =	ssettag $0x2  }
0x171: {  	s0 =	rddreg [dreg:$0x0];
	s2 =	stileid.u32  }
0x172: {  	s1 =	rddreg [dreg:$0x1];
	p0 =	sne.s32 s2, $0x0  }
0x173: {  	s3 =	rddreg [dreg:$0x2];
	[bflag:$0x3] =	sbarrier.arrive $0xFFFF;
	s2 =	simm.s32 @!p0 $0x1C05  }
0x174: {  	[timem:s3], [sflag:s2] =	dma.local @!p0 [hbm:s0], s1  }
0x175: {  	s0 =	simm.s32 @!p0 $0x5  }
0x176: {  	_ =	swait.ge @!p0 [sflag:s0], s1  }
0x177: {  	s1 =	ssub.s32 @!p0 $0x0, s1;
	[sflag:s0] =	ssyncset.done @!p0 $0x0  }
0x178: {  	[sflag:s0] =	ssyncadd.s32 @!p0 s1  }
0x179: {  	[bflag:$0x3] =	sbarrier.arrive $0xFFFF  }
0x17a: {  	_ =	shalt  }

</sc_bundles>
